<compile_context>
chip_gen: v7x
topology: tpu7x:2x2x1
jax: 0.10.2.dev20260603
libtpu: 0.0.44.dev20260713+nightly
codegen_flags: <defaults>
</compile_context>

<pallas_src>
import dataclasses

import jax
import jax.numpy as jnp
from jax import lax
from jax.experimental import pallas as pl
from jax.experimental.pallas import tpu as pltpu
from jax.experimental.pallas import tpu_sc as plsc

_N = 524288
_R = 4096
_B = 16384
_NBLK = _N // _B
_NCH = 32
_CS = _N // _NCH
_SC_STEP = 8192
_SC_NSTEP = _CS // _SC_STEP


def _tc1_body(feat, ts, dtl, ray, W1T, b1c, WoutT, boutT,
              st8_o, mm_o, smf, smi):
    pid = pl.program_id(0)

    @pl.when(pid == 0)
    def _():
        smf[0] = jnp.float32(0.0)
        smf[1] = jnp.float32(jnp.inf)
        smf[2] = jnp.float32(-jnp.inf)
        smi[0] = jnp.int32(-1)

    xT = jnp.swapaxes(feat[...], 0, 1)
    hT = jnp.maximum(
        jnp.dot(W1T[...], xT, preferred_element_type=jnp.float32)
        + b1c[...], 0.0)
    oT = jnp.dot(WoutT[...], hT,
                 preferred_element_type=jnp.float32) + boutT[...]
    rr = jax.nn.sigmoid(oT[0:1])
    gg = jax.nn.sigmoid(oT[1:2])
    bb = jax.nn.sigmoid(oT[2:3])
    sigma = jnp.exp(jnp.clip(oT[3:4], -15.0, 15.0))

    dt2 = dtl[...].reshape(1, _B)
    ts2 = ts[...].reshape(1, _B)
    s2 = sigma * dt2
    al2 = 1.0 - jnp.exp(-s2)
    st2 = ts2 + 0.5 * dt2

    incl = s2
    d = 1
    while d < _B:
        incl = incl + jnp.concatenate(
            [jnp.zeros((1, d), jnp.float32), incl[:, :_B - d]], axis=1)
        d *= 2
    carry = smf[0]
    ecs = incl - s2 + carry
    smf[0] = carry + jnp.max(incl)

    ray2 = ray[...].reshape(1, _B)
    top = jnp.full((1, 1), smi[0], jnp.int32)
    prev = jnp.concatenate([top, ray2[:, :_B - 1]], axis=1)
    m2 = jnp.where(ray2 != prev, ecs, -1.0)
    smi[0] = jnp.max(ray2)

    newmin = jnp.minimum(smf[1], jnp.min(st2))
    newmax = jnp.maximum(smf[2], jnp.max(st2))
    smf[1] = newmin
    smf[2] = newmax
    lane1 = lax.broadcasted_iota(jnp.int32, (1, 128), 1)
    mm_o[...] = jnp.where(lane1 == 0, newmin, newmax)

    st8_o[...] = jnp.concatenate(
        [ecs, m2, al2, rr, gg, bb, st2, st2], axis=0).reshape(
            8, _B // 2048, 2048)


def _tc1(feat, ts3, dt3, ray3, W1T, b1c, WoutT, boutT):
    f32 = jnp.float32
    vspec = pl.BlockSpec((1, 1, _B), lambda i: (i, 0, 0))
    full = lambda shp: pl.BlockSpec(shp, lambda i: (0,) * len(shp))
    return pl.pallas_call(
        _tc1_body,
        grid=(_NBLK,),
        in_specs=[
            pl.BlockSpec((_B, 64), lambda i: (i, 0)),
            vspec, vspec, vspec,
            full((128, 64)), full((128, 1)), full((8, 128)), full((8, 1)),
        ],
        out_specs=[pl.BlockSpec((8, _B // 2048, 2048), lambda i: (0, i, 0)),
                   full((1, 128))],
        out_shape=[jax.ShapeDtypeStruct((8, _N // 2048, 2048), f32),
                   jax.ShapeDtypeStruct((1, 128), f32)],
        scratch_shapes=[pltpu.SMEM((3,), jnp.float32),
                        pltpu.SMEM((1,), jnp.int32)],
    )(feat, ts3, dt3, ray3, W1T, b1c, WoutT, boutT)


def _sc_body(st8_h, ray_h,
             pr_o, pg_o, pb_o, pw_o, ps_o,
             ebuf, mbuf, abuf, rbuf, gbuf, bbuf, sbuf, ybuf,
             tr, tg, tb, tw, td, car, sems):
    c = lax.axis_index("c")
    s = lax.axis_index("s")
    tid = c * 16 + s
    base = tid * _CS

    z16 = jnp.zeros((16,), jnp.float32)

    @pl.loop(0, _R // 16)
    def _(j):
        sl = pl.ds(j * 16, 16)
        tr[sl] = z16
        tg[sl] = z16
        tb[sl] = z16
        tw[sl] = z16
        td[sl] = z16

    for step in range(_SC_NSTEP):
        off = base + step * _SC_STEP
        bufs = [ebuf, mbuf, abuf, rbuf, gbuf, bbuf, sbuf]
        cps = [pltpu.async_copy(st8_h.at[k, pl.ds(off, _SC_STEP)], buf,
                                sems.at[k])
               for k, buf in enumerate(bufs)]
        cps.append(pltpu.async_copy(ray_h.at[pl.ds(off, _SC_STEP)], ybuf,
                                    sems.at[7]))
        for cp in cps:
            cp.wait()
        if step == 0:
            e0 = ebuf[pl.ds(0, 16)]
            car[0] = e0[0]

        @pl.loop(0, _SC_STEP // 16)
        def _(j):
            sl = pl.ds(j * 16, 16)
            e16 = ebuf[sl]
            cm = plsc.cummax(mbuf[sl])
            offv = jnp.maximum(cm, car[0])
            car[0] = jnp.max(offv)
            w = jnp.exp(offv - e16) * abuf[sl]
            y16 = ybuf[sl]
            plsc.addupdate_scatter(tw, [y16], w)
            plsc.addupdate_scatter(tr, [y16], w * rbuf[sl])
            plsc.addupdate_scatter(tg, [y16], w * gbuf[sl])
            plsc.addupdate_scatter(tb, [y16], w * bbuf[sl])
            plsc.addupdate_scatter(td, [y16], w * sbuf[sl])

    pltpu.sync_copy(tr, pr_o.at[tid])
    pltpu.sync_copy(tg, pg_o.at[tid])
    pltpu.sync_copy(tb, pb_o.at[tid])
    pltpu.sync_copy(tw, pw_o.at[tid])
    pltpu.sync_copy(td, ps_o.at[tid])


def _sc(st8, ray):
    f32 = jnp.float32
    part = jax.ShapeDtypeStruct((_NCH, _R), f32)
    vbuf = pltpu.VMEM((_SC_STEP,), f32)
    cp = pltpu.CompilerParams()
    if "needs_layout_passes" in pltpu.CompilerParams.__dataclass_fields__:
        cp = dataclasses.replace(cp, needs_layout_passes=False)
    ker = pl.kernel(
        _sc_body,
        out_type=[part] * 5,
        compiler_params=cp,
        mesh=plsc.VectorSubcoreMesh(core_axis_name="c", subcore_axis_name="s"),
        scratch_types=[vbuf, vbuf, vbuf, vbuf, vbuf, vbuf, vbuf,
                       pltpu.VMEM((_SC_STEP,), jnp.int32)]
                      + [pltpu.VMEM((_R,), f32)] * 5
                      + [pltpu.SMEM((1,), f32),
                         pltpu.SemaphoreType.DMA((8,))],
    )
    return ker(st8, ray)


def _fin_body(pr, pg, pb, pw, ps, m_f, ecs_f, hr, bgT, mm,
              rgb_o, dep_o, acc_o):
    m3 = m_f[...].reshape(_NCH, 128, 128)
    ecs3 = ecs_f[...].reshape(_NCH, 128, 128)
    chmax = jnp.max(jnp.max(m3, axis=2), axis=1, keepdims=True)

    lane = lax.broadcasted_iota(jnp.int32, (_NCH, 1, 128), 2)

    def first_lane(x3):
        row0 = x3[:, 0:1, :]
        return jnp.sum(jnp.where(lane == 0, row0, 0.0), axis=2)

    ecs_start = first_lane(ecs3)
    m_start = first_lane(m3)

    ex = jnp.concatenate([jnp.zeros((1, 1), jnp.float32), chmax[:_NCH - 1]],
                         axis=0)
    for d in (1, 2, 4, 8, 16):
        ex = jnp.maximum(
            ex, jnp.concatenate([jnp.full((d, 1), -1.0, jnp.float32),
                                 ex[:_NCH - d]], axis=0))
    corr = jnp.where(m_start >= 0.0, 1.0, jnp.exp(-(ecs_start - ex)))

    hr2 = hr[...]
    colj = lax.broadcasted_iota(jnp.int32, (_NCH, _R), 1)
    scale = jnp.where(colj == hr2, corr, 1.0)

    def tot(p):
        return jnp.sum(p[...] * scale, axis=0, keepdims=True)

    Wt = tot(pw)
    Rt = tot(pr)
    Gt = tot(pg)
    Bt = tot(pb)
    St = tot(ps)
    one_m = 1.0 - Wt
    bg = bgT[...]
    cr = Rt + one_m * bg[0:1]
    cg = Gt + one_m * bg[1:2]
    cb = Bt + one_m * bg[2:3]
    rgb_o[...] = jnp.concatenate([cr, cg, cb], axis=0)
    mn = mm[0:1, 0:1]
    mx = mm[0:1, 1:2]
    d = St / (Wt + 1e-10)
    dep_o[...] = jnp.minimum(jnp.maximum(d, mn), mx)
    acc_o[...] = Wt


def _fin(pr, pg, pb, pw, ps, m2, ecs2, hr, bgT, mm):
    f32 = jnp.float32
    return pl.pallas_call(
        _fin_body,
        out_shape=[jax.ShapeDtypeStruct((3, _R), f32),
                   jax.ShapeDtypeStruct((1, _R), f32),
                   jax.ShapeDtypeStruct((1, _R), f32)],
    )(pr, pg, pb, pw, ps, m2, ecs2, hr, bgT, mm)


def kernel(features, t_starts, t_deltas, ray_indices, bg_color,
           W1, b1, W_rgb, b_rgb, W_sigma, b_sigma):
    f32 = jnp.float32
    ts3 = t_starts.reshape(_NBLK, 1, _B)
    dt3 = t_deltas.reshape(_NBLK, 1, _B)
    ray3 = ray_indices.reshape(_NBLK, 1, _B)
    WoutT = jnp.concatenate(
        [W_rgb, W_sigma, jnp.zeros((128, 4), f32)], axis=1).T
    boutT = jnp.concatenate([b_rgb, b_sigma, jnp.zeros((4,), f32)]).reshape(8, 1)
    W1T = W1.T
    b1c = b1.reshape(128, 1)

    st8_3, mm = _tc1(features, ts3, dt3, ray3, W1T, b1c, WoutT, boutT)
    st8 = st8_3.reshape(8, _N)

    pr, pg, pb, pw, ps = _sc(st8, ray_indices)

    hr = ray_indices[::_CS].reshape(_NCH, 1)
    bgT = bg_color.T
    m2 = st8[1].reshape(_N // 128, 128)
    ecs2 = st8[0].reshape(_N // 128, 128)
    rgbT, depT, accT = _fin(pr, pg, pb, pw, ps, m2, ecs2, hr, bgT, mm)
    return rgbT.T, depT.T, accT.T

# --- scband reference (transcript-rebuilt; emitter-appended) ---
"""Pipeline reference for scband-ngpmodel-35347580846329 (READ-ONLY COPY).

The authoritative reference and input builder live on the scoring server;
editing this copy changes nothing except your own understanding.
"""

import jax, jax.numpy as jnp
import numpy as np

N = 524288
NUM_RAYS = 4096
D_FEAT = 64
HIDDEN = 128


def setup_inputs(seed: int = 0) -> dict:
    key = jax.random.key(seed)
    ks = jax.random.split(key, 12)
    features = jax.random.normal(ks[0], (N, D_FEAT), dtype=jnp.float32)
    t_starts = jax.random.uniform(ks[1], (N,), dtype=jnp.float32) * 4.0 + 0.1
    t_deltas = jax.random.uniform(ks[2], (N,), dtype=jnp.float32) * 0.01 + 1e-4
    ray_indices = jnp.sort(jax.random.randint(ks[3], (N,), 0, NUM_RAYS, dtype=jnp.int32))
    bg_color = jax.random.uniform(ks[4], (NUM_RAYS, 3), dtype=jnp.float32)
    W1 = jax.random.normal(ks[5], (D_FEAT, HIDDEN), dtype=jnp.float32) * (1.0 / np.sqrt(D_FEAT))
    b1 = jnp.zeros((HIDDEN,), dtype=jnp.float32)
    W_rgb = jax.random.normal(ks[6], (HIDDEN, 3), dtype=jnp.float32) * (1.0 / np.sqrt(HIDDEN))
    b_rgb = jnp.zeros((3,), dtype=jnp.float32)
    W_sigma = jax.random.normal(ks[7], (HIDDEN, 1), dtype=jnp.float32) * (1.0 / np.sqrt(HIDDEN))
    b_sigma = jnp.zeros((1,), dtype=jnp.float32)
    return {
        'features': features,
        't_starts': t_starts,
        't_deltas': t_deltas,
        'ray_indices': ray_indices,
        'bg_color': bg_color,
        'W1': W1, 'b1': b1,
        'W_rgb': W_rgb, 'b_rgb': b_rgb,
        'W_sigma': W_sigma, 'b_sigma': b_sigma,
    }


def reference(features, t_starts, t_deltas, ray_indices, bg_color, W1, b1, W_rgb, b_rgb, W_sigma, b_sigma):
    num_rays = bg_color.shape[0]
    # field decoder (linear_decoder path of KPlaneField): features -> rgb, density
    h = jnp.maximum(features @ W1 + b1, 0.0)
    rgb = jax.nn.sigmoid(h @ W_rgb + b_rgb)                         # [N, 3]
    sigma = jnp.exp(jnp.clip(h @ W_sigma + b_sigma, -15.0, 15.0))[:, 0]  # trunc_exp, [N]

    # nerfacc.render_weight_from_density: segmented transmittance via exclusive cumsum
    dt = t_deltas
    s = sigma * dt                                                   # [N], >= 0
    cum = jnp.cumsum(s)
    ecs = cum - s                                                    # exclusive global cumsum
    # offset per segment = ecs at first element of each (sorted, contiguous) segment;
    # ecs is nondecreasing so segment_min picks the segment-start value
    seg_offset = jax.ops.segment_min(ecs, ray_indices, num_segments=num_rays)
    T = jnp.exp(-(ecs - seg_offset[ray_indices]))                    # transmittance
    alpha = 1.0 - jnp.exp(-s)
    weights = T * alpha                                              # [N]

    # nerfacc.accumulate_along_rays -> segment sums
    comp_rgb = jax.ops.segment_sum(weights[:, None] * rgb, ray_indices, num_segments=num_rays)
    acc = jax.ops.segment_sum(weights, ray_indices, num_segments=num_rays)
    steps = t_starts + dt * 0.5
    depth = jax.ops.segment_sum(weights * steps, ray_indices, num_segments=num_rays)
    depth = depth / (acc + 1e-10)
    depth = jnp.clip(depth, steps.min(), steps.max())

    comp_rgb = comp_rgb + (1.0 - acc[:, None]) * bg_color
    return comp_rgb, depth[:, None], acc[:, None]

if __name__ == "__main__":
    import jax
    _d = setup_inputs()
    print(jax.jit(kernel)(*tuple(_d.values())))

</pallas_src>

<mosaic_0001>
#map = affine_map<(d0, d1) -> (0, 0)>
#map1 = affine_map<(d0, d1) -> (0)>
module attributes {stable_mosaic.version = 14 : i64} {
  func.func @_sc_body(%arg0: i32, %arg1: i32, %arg2: memref<8x524288xf32, #tpu.memory_space<hbm>>, %arg3: memref<524288xi32, #tpu.memory_space<hbm>>, %arg4: memref<32x4096xf32, #tpu.memory_space<hbm>>, %arg5: memref<32x4096xf32, #tpu.memory_space<hbm>>, %arg6: memref<32x4096xf32, #tpu.memory_space<hbm>>, %arg7: memref<32x4096xf32, #tpu.memory_space<hbm>>, %arg8: memref<32x4096xf32, #tpu.memory_space<hbm>>, %arg9: memref<8192xf32, #tpu.memory_space<vmem>>, %arg10: memref<8192xf32, #tpu.memory_space<vmem>>, %arg11: memref<8192xf32, #tpu.memory_space<vmem>>, %arg12: memref<8192xf32, #tpu.memory_space<vmem>>, %arg13: memref<8192xf32, #tpu.memory_space<vmem>>, %arg14: memref<8192xf32, #tpu.memory_space<vmem>>, %arg15: memref<8192xf32, #tpu.memory_space<vmem>>, %arg16: memref<8192xi32, #tpu.memory_space<vmem>>, %arg17: memref<4096xf32, #tpu.memory_space<vmem>>, %arg18: memref<4096xf32, #tpu.memory_space<vmem>>, %arg19: memref<4096xf32, #tpu.memory_space<vmem>>, %arg20: memref<4096xf32, #tpu.memory_space<vmem>>, %arg21: memref<4096xf32, #tpu.memory_space<vmem>>, %arg22: memref<1xf32, #tpu.memory_space<smem>>, %arg23: memref<8x!tpu.dma_semaphore, #tpu.memory_space<semaphore_mem>>) attributes {dimension_semantics = [#tpu.dimension_semantics<core_parallel>, #tpu.dimension_semantics<subcore_parallel>], iteration_bounds = array<i64: 2, 16>, scalar_prefetch = 0 : i64, scratch_operands = 15 : i64, tpu.core_type = #tpu.core_type<sc_vector_subcore>, window_params = [{transform_indices = #map}, {transform_indices = #map1}, {transform_indices = #map}, {transform_indices = #map}, {transform_indices = #map}, {transform_indices = #map}, {transform_indices = #map}]} {
    %mul3A = arith.constant 16 : i32
    %mul3A_0 = arith.muli %arg0, %mul3A : i32
    %add3A = arith.addi %mul3A_0, %arg1 : i32
    %mul3A_1 = arith.constant 16384 : i32
    %mul3A_2 = arith.muli %add3A, %mul3A_1 : i32
    %broadcast_in_dim3A = arith.constant 0.000000e+00 : f32
    %broadcast_in_dim3A_3 = vector.broadcast %broadcast_in_dim3A : f32 to vector<16xf32>
    %scan3A = arith.constant 0 : i32
    %scan3A_4 = arith.constant 256 : i32
    %scan3A_5 = arith.addi %scan3A, %scan3A_4 : i32
    %scan3A_6 = arith.constant 1 : i32
    scf.for %scan3A_267 = %scan3A to %scan3A_5 step %scan3A_6  : i32 {
      %mul3A_268 = arith.constant 1 : i32
      %mul3A_269 = arith.muli %scan3A_267, %mul3A_268 : i32
      %add3A_270 = arith.constant 0 : i32
      %add3A_271 = arith.addi %add3A_270, %mul3A_269 : i32
      %mul3A_272 = arith.constant 16 : i32
      %mul3A_273 = arith.muli %add3A_271, %mul3A_272 : i32
      %swap3A_274 = arith.index_cast %mul3A_273 : i32 to index
      %swap3A_275 = tpu.vector_load %arg17[%swap3A_274] {strides = array<i32>} : memref<4096xf32, #tpu.memory_space<vmem>>, vector<16xf32>,
      tpu.vector_store %arg17[%swap3A_274], %broadcast_in_dim3A_3 {strides = array<i32>} : memref<4096xf32, #tpu.memory_space<vmem>>, vector<16xf32>,
      %swap3A_276 = arith.index_cast %mul3A_273 : i32 to index
      %swap3A_277 = tpu.vector_load %arg18[%swap3A_276] {strides = array<i32>} : memref<4096xf32, #tpu.memory_space<vmem>>, vector<16xf32>,
      tpu.vector_store %arg18[%swap3A_276], %broadcast_in_dim3A_3 {strides = array<i32>} : memref<4096xf32, #tpu.memory_space<vmem>>, vector<16xf32>,
      %swap3A_278 = arith.index_cast %mul3A_273 : i32 to index
      %swap3A_279 = tpu.vector_load %arg19[%swap3A_278] {strides = array<i32>} : memref<4096xf32, #tpu.memory_space<vmem>>, vector<16xf32>,
      tpu.vector_store %arg19[%swap3A_278], %broadcast_in_dim3A_3 {strides = array<i32>} : memref<4096xf32, #tpu.memory_space<vmem>>, vector<16xf32>,
      %swap3A_280 = arith.index_cast %mul3A_273 : i32 to index
      %swap3A_281 = tpu.vector_load %arg20[%swap3A_280] {strides = array<i32>} : memref<4096xf32, #tpu.memory_space<vmem>>, vector<16xf32>,
      tpu.vector_store %arg20[%swap3A_280], %broadcast_in_dim3A_3 {strides = array<i32>} : memref<4096xf32, #tpu.memory_space<vmem>>, vector<16xf32>,
      %swap3A_282 = arith.index_cast %mul3A_273 : i32 to index
      %swap3A_283 = tpu.vector_load %arg21[%swap3A_282] {strides = array<i32>} : memref<4096xf32, #tpu.memory_space<vmem>>, vector<16xf32>,
      tpu.vector_store %arg21[%swap3A_282], %broadcast_in_dim3A_3 {strides = array<i32>} : memref<4096xf32, #tpu.memory_space<vmem>>, vector<16xf32>,
    }
    %scan3A_7 = arith.constant 256 : i32
    %add3A_8 = arith.constant 0 : i32
    %add3A_9 = arith.addi %mul3A_2, %add3A_8 : i32
    %dma_start3A = arith.constant 0 : i32
    %dma_start3A_10 = arith.constant 0 : i32
    %dma_start3A_11 = tpu.memref_slice %arg2[%dma_start3A, %add3A_9] : memref<8x524288xf32, #tpu.memory_space<hbm>> -> memref<1x8192xf32, #tpu.memory_space<hbm>>
    %dma_start3A_12 = tpu.memref_squeeze %dma_start3A_11 : memref<1x8192xf32, #tpu.memory_space<hbm>> -> memref<8192xf32, #tpu.memory_space<hbm>>
    %dma_start3A_13 = tpu.memref_slice %arg23[%dma_start3A_10] : memref<8x!tpu.dma_semaphore, #tpu.memory_space<semaphore_mem>> -> memref<1x!tpu.dma_semaphore, #tpu.memory_space<semaphore_mem>>
    %dma_start3A_14 = tpu.memref_squeeze %dma_start3A_13 : memref<1x!tpu.dma_semaphore, #tpu.memory_space<semaphore_mem>> -> memref<!tpu.dma_semaphore, #tpu.memory_space<semaphore_mem>>
    %dma_start3A_15 = tpu.memref_slice %arg2[%dma_start3A, %add3A_9] : memref<8x524288xf32, #tpu.memory_space<hbm>> -> memref<1x8192xf32, #tpu.memory_space<hbm>>
    %dma_start3A_16 = tpu.memref_squeeze %dma_start3A_15 : memref<1x8192xf32, #tpu.memory_space<hbm>> -> memref<8192xf32, #tpu.memory_space<hbm>>
    tpu.enqueue_dma source(%dma_start3A_16 : memref<8192xf32, #tpu.memory_space<hbm>>) target(%arg9 : memref<8192xf32, #tpu.memory_space<vmem>>) target_semaphore(%dma_start3A_14 : memref<!tpu.dma_semaphore, #tpu.memory_space<semaphore_mem>>)
    %dma_start3A_17 = arith.constant 1 : i32
    %dma_start3A_18 = arith.constant 1 : i32
    %dma_start3A_19 = tpu.memref_slice %arg2[%dma_start3A_17, %add3A_9] : memref<8x524288xf32, #tpu.memory_space<hbm>> -> memref<1x8192xf32, #tpu.memory_space<hbm>>
    %dma_start3A_20 = tpu.memref_squeeze %dma_start3A_19 : memref<1x8192xf32, #tpu.memory_space<hbm>> -> memref<8192xf32, #tpu.memory_space<hbm>>
    %dma_start3A_21 = tpu.memref_slice %arg23[%dma_start3A_18] : memref<8x!tpu.dma_semaphore, #tpu.memory_space<semaphore_mem>> -> memref<1x!tpu.dma_semaphore, #tpu.memory_space<semaphore_mem>>
    %dma_start3A_22 = tpu.memref_squeeze %dma_start3A_21 : memref<1x!tpu.dma_semaphore, #tpu.memory_space<semaphore_mem>> -> memref<!tpu.dma_semaphore, #tpu.memory_space<semaphore_mem>>
    %dma_start3A_23 = tpu.memref_slice %arg2[%dma_start3A_17, %add3A_9] : memref<8x524288xf32, #tpu.memory_space<hbm>> -> memref<1x8192xf32, #tpu.memory_space<hbm>>
    %dma_start3A_24 = tpu.memref_squeeze %dma_start3A_23 : memref<1x8192xf32, #tpu.memory_space<hbm>> -> memref<8192xf32, #tpu.memory_space<hbm>>
    tpu.enqueue_dma source(%dma_start3A_24 : memref<8192xf32, #tpu.memory_space<hbm>>) target(%arg10 : memref<8192xf32, #tpu.memory_space<vmem>>) target_semaphore(%dma_start3A_22 : memref<!tpu.dma_semaphore, #tpu.memory_space<semaphore_mem>>)
    %dma_start3A_25 = arith.constant 2 : i32
    %dma_start3A_26 = arith.constant 2 : i32
    %dma_start3A_27 = tpu.memref_slice %arg2[%dma_start3A_25, %add3A_9] : memref<8x524288xf32, #tpu.memory_space<hbm>> -> memref<1x8192xf32, #tpu.memory_space<hbm>>
    %dma_start3A_28 = tpu.memref_squeeze %dma_start3A_27 : memref<1x8192xf32, #tpu.memory_space<hbm>> -> memref<8192xf32, #tpu.memory_space<hbm>>
    %dma_start3A_29 = tpu.memref_slice %arg23[%dma_start3A_26] : memref<8x!tpu.dma_semaphore, #tpu.memory_space<semaphore_mem>> -> memref<1x!tpu.dma_semaphore, #tpu.memory_space<semaphore_mem>>
    %dma_start3A_30 = tpu.memref_squeeze %dma_start3A_29 : memref<1x!tpu.dma_semaphore, #tpu.memory_space<semaphore_mem>> -> memref<!tpu.dma_semaphore, #tpu.memory_space<semaphore_mem>>
    %dma_start3A_31 = tpu.memref_slice %arg2[%dma_start3A_25, %add3A_9] : memref<8x524288xf32, #tpu.memory_space<hbm>> -> memref<1x8192xf32, #tpu.memory_space<hbm>>
    %dma_start3A_32 = tpu.memref_squeeze %dma_start3A_31 : memref<1x8192xf32, #tpu.memory_space<hbm>> -> memref<8192xf32, #tpu.memory_space<hbm>>
    tpu.enqueue_dma source(%dma_start3A_32 : memref<8192xf32, #tpu.memory_space<hbm>>) target(%arg11 : memref<8192xf32, #tpu.memory_space<vmem>>) target_semaphore(%dma_start3A_30 : memref<!tpu.dma_semaphore, #tpu.memory_space<semaphore_mem>>)
    %dma_start3A_33 = arith.constant 3 : i32
    %dma_start3A_34 = arith.constant 3 : i32
    %dma_start3A_35 = tpu.memref_slice %arg2[%dma_start3A_33, %add3A_9] : memref<8x524288xf32, #tpu.memory_space<hbm>> -> memref<1x8192xf32, #tpu.memory_space<hbm>>
    %dma_start3A_36 = tpu.memref_squeeze %dma_start3A_35 : memref<1x8192xf32, #tpu.memory_space<hbm>> -> memref<8192xf32, #tpu.memory_space<hbm>>
    %dma_start3A_37 = tpu.memref_slice %arg23[%dma_start3A_34] : memref<8x!tpu.dma_semaphore, #tpu.memory_space<semaphore_mem>> -> memref<1x!tpu.dma_semaphore, #tpu.memory_space<semaphore_mem>>
    %dma_start3A_38 = tpu.memref_squeeze %dma_start3A_37 : memref<1x!tpu.dma_semaphore, #tpu.memory_space<semaphore_mem>> -> memref<!tpu.dma_semaphore, #tpu.memory_space<semaphore_mem>>
    %dma_start3A_39 = tpu.memref_slice %arg2[%dma_start3A_33, %add3A_9] : memref<8x524288xf32, #tpu.memory_space<hbm>> -> memref<1x8192xf32, #tpu.memory_space<hbm>>
    %dma_start3A_40 = tpu.memref_squeeze %dma_start3A_39 : memref<1x8192xf32, #tpu.memory_space<hbm>> -> memref<8192xf32, #tpu.memory_space<hbm>>
    tpu.enqueue_dma source(%dma_start3A_40 : memref<8192xf32, #tpu.memory_space<hbm>>) target(%arg12 : memref<8192xf32, #tpu.memory_space<vmem>>) target_semaphore(%dma_start3A_38 : memref<!tpu.dma_semaphore, #tpu.memory_space<semaphore_mem>>)
    %dma_start3A_41 = arith.constant 4 : i32
    %dma_start3A_42 = arith.constant 4 : i32
    %dma_start3A_43 = tpu.memref_slice %arg2[%dma_start3A_41, %add3A_9] : memref<8x524288xf32, #tpu.memory_space<hbm>> -> memref<1x8192xf32, #tpu.memory_space<hbm>>
    %dma_start3A_44 = tpu.memref_squeeze %dma_start3A_43 : memref<1x8192xf32, #tpu.memory_space<hbm>> -> memref<8192xf32, #tpu.memory_space<hbm>>
    %dma_start3A_45 = tpu.memref_slice %arg23[%dma_start3A_42] : memref<8x!tpu.dma_semaphore, #tpu.memory_space<semaphore_mem>> -> memref<1x!tpu.dma_semaphore, #tpu.memory_space<semaphore_mem>>
    %dma_start3A_46 = tpu.memref_squeeze %dma_start3A_45 : memref<1x!tpu.dma_semaphore, #tpu.memory_space<semaphore_mem>> -> memref<!tpu.dma_semaphore, #tpu.memory_space<semaphore_mem>>
    %dma_start3A_47 = tpu.memref_slice %arg2[%dma_start3A_41, %add3A_9] : memref<8x524288xf32, #tpu.memory_space<hbm>> -> memref<1x8192xf32, #tpu.memory_space<hbm>>
    %dma_start3A_48 = tpu.memref_squeeze %dma_start3A_47 : memref<1x8192xf32, #tpu.memory_space<hbm>> -> memref<8192xf32, #tpu.memory_space<hbm>>
    tpu.enqueue_dma source(%dma_start3A_48 : memref<8192xf32, #tpu.memory_space<hbm>>) target(%arg13 : memref<8192xf32, #tpu.memory_space<vmem>>) target_semaphore(%dma_start3A_46 : memref<!tpu.dma_semaphore, #tpu.memory_space<semaphore_mem>>)
    %dma_start3A_49 = arith.constant 5 : i32
    %dma_start3A_50 = arith.constant 5 : i32
    %dma_start3A_51 = tpu.memref_slice %arg2[%dma_start3A_49, %add3A_9] : memref<8x524288xf32, #tpu.memory_space<hbm>> -> memref<1x8192xf32, #tpu.memory_space<hbm>>
    %dma_start3A_52 = tpu.memref_squeeze %dma_start3A_51 : memref<1x8192xf32, #tpu.memory_space<hbm>> -> memref<8192xf32, #tpu.memory_space<hbm>>
    %dma_start3A_53 = tpu.memref_slice %arg23[%dma_start3A_50] : memref<8x!tpu.dma_semaphore, #tpu.memory_space<semaphore_mem>> -> memref<1x!tpu.dma_semaphore, #tpu.memory_space<semaphore_mem>>
    %dma_start3A_54 = tpu.memref_squeeze %dma_start3A_53 : memref<1x!tpu.dma_semaphore, #tpu.memory_space<semaphore_mem>> -> memref<!tpu.dma_semaphore, #tpu.memory_space<semaphore_mem>>
    %dma_start3A_55 = tpu.memref_slice %arg2[%dma_start3A_49, %add3A_9] : memref<8x524288xf32, #tpu.memory_space<hbm>> -> memref<1x8192xf32, #tpu.memory_space<hbm>>
    %dma_start3A_56 = tpu.memref_squeeze %dma_start3A_55 : memref<1x8192xf32, #tpu.memory_space<hbm>> -> memref<8192xf32, #tpu.memory_space<hbm>>
    tpu.enqueue_dma source(%dma_start3A_56 : memref<8192xf32, #tpu.memory_space<hbm>>) target(%arg14 : memref<8192xf32, #tpu.memory_space<vmem>>) target_semaphore(%dma_start3A_54 : memref<!tpu.dma_semaphore, #tpu.memory_space<semaphore_mem>>)
    %dma_start3A_57 = arith.constant 6 : i32
    %dma_start3A_58 = arith.constant 6 : i32
    %dma_start3A_59 = tpu.memref_slice %arg2[%dma_start3A_57, %add3A_9] : memref<8x524288xf32, #tpu.memory_space<hbm>> -> memref<1x8192xf32, #tpu.memory_space<hbm>>
    %dma_start3A_60 = tpu.memref_squeeze %dma_start3A_59 : memref<1x8192xf32, #tpu.memory_space<hbm>> -> memref<8192xf32, #tpu.memory_space<hbm>>
    %dma_start3A_61 = tpu.memref_slice %arg23[%dma_start3A_58] : memref<8x!tpu.dma_semaphore, #tpu.memory_space<semaphore_mem>> -> memref<1x!tpu.dma_semaphore, #tpu.memory_space<semaphore_mem>>
    %dma_start3A_62 = tpu.memref_squeeze %dma_start3A_61 : memref<1x!tpu.dma_semaphore, #tpu.memory_space<semaphore_mem>> -> memref<!tpu.dma_semaphore, #tpu.memory_space<semaphore_mem>>
    %dma_start3A_63 = tpu.memref_slice %arg2[%dma_start3A_57, %add3A_9] : memref<8x524288xf32, #tpu.memory_space<hbm>> -> memref<1x8192xf32, #tpu.memory_space<hbm>>
    %dma_start3A_64 = tpu.memref_squeeze %dma_start3A_63 : memref<1x8192xf32, #tpu.memory_space<hbm>> -> memref<8192xf32, #tpu.memory_space<hbm>>
    tpu.enqueue_dma source(%dma_start3A_64 : memref<8192xf32, #tpu.memory_space<hbm>>) target(%arg15 : memref<8192xf32, #tpu.memory_space<vmem>>) target_semaphore(%dma_start3A_62 : memref<!tpu.dma_semaphore, #tpu.memory_space<semaphore_mem>>)
    %dma_start3A_65 = arith.constant 7 : i32
    %dma_start3A_66 = tpu.memref_slice %arg3[%add3A_9] : memref<524288xi32, #tpu.memory_space<hbm>> -> memref<8192xi32, #tpu.memory_space<hbm>>
    %dma_start3A_67 = tpu.memref_slice %arg23[%dma_start3A_65] : memref<8x!tpu.dma_semaphore, #tpu.memory_space<semaphore_mem>> -> memref<1x!tpu.dma_semaphore, #tpu.memory_space<semaphore_mem>>
    %dma_start3A_68 = tpu.memref_squeeze %dma_start3A_67 : memref<1x!tpu.dma_semaphore, #tpu.memory_space<semaphore_mem>> -> memref<!tpu.dma_semaphore, #tpu.memory_space<semaphore_mem>>
    %dma_start3A_69 = tpu.memref_slice %arg3[%add3A_9] : memref<524288xi32, #tpu.memory_space<hbm>> -> memref<8192xi32, #tpu.memory_space<hbm>>
    tpu.enqueue_dma source(%dma_start3A_69 : memref<8192xi32, #tpu.memory_space<hbm>>) target(%arg16 : memref<8192xi32, #tpu.memory_space<vmem>>) target_semaphore(%dma_start3A_68 : memref<!tpu.dma_semaphore, #tpu.memory_space<semaphore_mem>>)
    %dma_wait3A = arith.constant 0 : i32
    %dma_wait3A_70 = arith.constant 0 : i32
    %dma_wait3A_71 = tpu.memref_slice %arg2[%dma_wait3A, %add3A_9] : memref<8x524288xf32, #tpu.memory_space<hbm>> -> memref<1x8192xf32, #tpu.memory_space<hbm>>
    %dma_wait3A_72 = tpu.memref_squeeze %dma_wait3A_71 : memref<1x8192xf32, #tpu.memory_space<hbm>> -> memref<8192xf32, #tpu.memory_space<hbm>>
    %dma_wait3A_73 = tpu.memref_slice %arg23[%dma_wait3A_70] : memref<8x!tpu.dma_semaphore, #tpu.memory_space<semaphore_mem>> -> memref<1x!tpu.dma_semaphore, #tpu.memory_space<semaphore_mem>>
    %dma_wait3A_74 = tpu.memref_squeeze %dma_wait3A_73 : memref<1x!tpu.dma_semaphore, #tpu.memory_space<semaphore_mem>> -> memref<!tpu.dma_semaphore, #tpu.memory_space<semaphore_mem>>
    %dma_wait3A_75 = tpu.memref_slice %arg2[%dma_wait3A, %add3A_9] : memref<8x524288xf32, #tpu.memory_space<hbm>> -> memref<1x8192xf32, #tpu.memory_space<hbm>>
    %dma_wait3A_76 = tpu.memref_squeeze %dma_wait3A_75 : memref<1x8192xf32, #tpu.memory_space<hbm>> -> memref<8192xf32, #tpu.memory_space<hbm>>
    tpu.wait_dma2 semaphore(%dma_wait3A_74 : memref<!tpu.dma_semaphore, #tpu.memory_space<semaphore_mem>>) src(%dma_wait3A_76 : memref<8192xf32, #tpu.memory_space<hbm>>) dst(%arg9 : memref<8192xf32, #tpu.memory_space<vmem>>)
    %dma_wait3A_77 = arith.constant 1 : i32
    %dma_wait3A_78 = arith.constant 1 : i32
    %dma_wait3A_79 = tpu.memref_slice %arg2[%dma_wait3A_77, %add3A_9] : memref<8x524288xf32, #tpu.memory_space<hbm>> -> memref<1x8192xf32, #tpu.memory_space<hbm>>
    %dma_wait3A_80 = tpu.memref_squeeze %dma_wait3A_79 : memref<1x8192xf32, #tpu.memory_space<hbm>> -> memref<8192xf32, #tpu.memory_space<hbm>>
    %dma_wait3A_81 = tpu.memref_slice %arg23[%dma_wait3A_78] : memref<8x!tpu.dma_semaphore, #tpu.memory_space<semaphore_mem>> -> memref<1x!tpu.dma_semaphore, #tpu.memory_space<semaphore_mem>>
    %dma_wait3A_82 = tpu.memref_squeeze %dma_wait3A_81 : memref<1x!tpu.dma_semaphore, #tpu.memory_space<semaphore_mem>> -> memref<!tpu.dma_semaphore, #tpu.memory_space<semaphore_mem>>
    %dma_wait3A_83 = tpu.memref_slice %arg2[%dma_wait3A_77, %add3A_9] : memref<8x524288xf32, #tpu.memory_space<hbm>> -> memref<1x8192xf32, #tpu.memory_space<hbm>>
    %dma_wait3A_84 = tpu.memref_squeeze %dma_wait3A_83 : memref<1x8192xf32, #tpu.memory_space<hbm>> -> memref<8192xf32, #tpu.memory_space<hbm>>
    tpu.wait_dma2 semaphore(%dma_wait3A_82 : memref<!tpu.dma_semaphore, #tpu.memory_space<semaphore_mem>>) src(%dma_wait3A_84 : memref<8192xf32, #tpu.memory_space<hbm>>) dst(%arg10 : memref<8192xf32, #tpu.memory_space<vmem>>)
    %dma_wait3A_85 = arith.constant 2 : i32
    %dma_wait3A_86 = arith.constant 2 : i32
    %dma_wait3A_87 = tpu.memref_slice %arg2[%dma_wait3A_85, %add3A_9] : memref<8x524288xf32, #tpu.memory_space<hbm>> -> memref<1x8192xf32, #tpu.memory_space<hbm>>
    %dma_wait3A_88 = tpu.memref_squeeze %dma_wait3A_87 : memref<1x8192xf32, #tpu.memory_space<hbm>> -> memref<8192xf32, #tpu.memory_space<hbm>>
    %dma_wait3A_89 = tpu.memref_slice %arg23[%dma_wait3A_86] : memref<8x!tpu.dma_semaphore, #tpu.memory_space<semaphore_mem>> -> memref<1x!tpu.dma_semaphore, #tpu.memory_space<semaphore_mem>>
    %dma_wait3A_90 = tpu.memref_squeeze %dma_wait3A_89 : memref<1x!tpu.dma_semaphore, #tpu.memory_space<semaphore_mem>> -> memref<!tpu.dma_semaphore, #tpu.memory_space<semaphore_mem>>
    %dma_wait3A_91 = tpu.memref_slice %arg2[%dma_wait3A_85, %add3A_9] : memref<8x524288xf32, #tpu.memory_space<hbm>> -> memref<1x8192xf32, #tpu.memory_space<hbm>>
    %dma_wait3A_92 = tpu.memref_squeeze %dma_wait3A_91 : memref<1x8192xf32, #tpu.memory_space<hbm>> -> memref<8192xf32, #tpu.memory_space<hbm>>
    tpu.wait_dma2 semaphore(%dma_wait3A_90 : memref<!tpu.dma_semaphore, #tpu.memory_space<semaphore_mem>>) src(%dma_wait3A_92 : memref<8192xf32, #tpu.memory_space<hbm>>) dst(%arg11 : memref<8192xf32, #tpu.memory_space<vmem>>)
    %dma_wait3A_93 = arith.constant 3 : i32
    %dma_wait3A_94 = arith.constant 3 : i32
    %dma_wait3A_95 = tpu.memref_slice %arg2[%dma_wait3A_93, %add3A_9] : memref<8x524288xf32, #tpu.memory_space<hbm>> -> memref<1x8192xf32, #tpu.memory_space<hbm>>
    %dma_wait3A_96 = tpu.memref_squeeze %dma_wait3A_95 : memref<1x8192xf32, #tpu.memory_space<hbm>> -> memref<8192xf32, #tpu.memory_space<hbm>>
    %dma_wait3A_97 = tpu.memref_slice %arg23[%dma_wait3A_94] : memref<8x!tpu.dma_semaphore, #tpu.memory_space<semaphore_mem>> -> memref<1x!tpu.dma_semaphore, #tpu.memory_space<semaphore_mem>>
    %dma_wait3A_98 = tpu.memref_squeeze %dma_wait3A_97 : memref<1x!tpu.dma_semaphore, #tpu.memory_space<semaphore_mem>> -> memref<!tpu.dma_semaphore, #tpu.memory_space<semaphore_mem>>
    %dma_wait3A_99 = tpu.memref_slice %arg2[%dma_wait3A_93, %add3A_9] : memref<8x524288xf32, #tpu.memory_space<hbm>> -> memref<1x8192xf32, #tpu.memory_space<hbm>>
    %dma_wait3A_100 = tpu.memref_squeeze %dma_wait3A_99 : memref<1x8192xf32, #tpu.memory_space<hbm>> -> memref<8192xf32, #tpu.memory_space<hbm>>
    tpu.wait_dma2 semaphore(%dma_wait3A_98 : memref<!tpu.dma_semaphore, #tpu.memory_space<semaphore_mem>>) src(%dma_wait3A_100 : memref<8192xf32, #tpu.memory_space<hbm>>) dst(%arg12 : memref<8192xf32, #tpu.memory_space<vmem>>)
    %dma_wait3A_101 = arith.constant 4 : i32
    %dma_wait3A_102 = arith.constant 4 : i32
    %dma_wait3A_103 = tpu.memref_slice %arg2[%dma_wait3A_101, %add3A_9] : memref<8x524288xf32, #tpu.memory_space<hbm>> -> memref<1x8192xf32, #tpu.memory_space<hbm>>
    %dma_wait3A_104 = tpu.memref_squeeze %dma_wait3A_103 : memref<1x8192xf32, #tpu.memory_space<hbm>> -> memref<8192xf32, #tpu.memory_space<hbm>>
    %dma_wait3A_105 = tpu.memref_slice %arg23[%dma_wait3A_102] : memref<8x!tpu.dma_semaphore, #tpu.memory_space<semaphore_mem>> -> memref<1x!tpu.dma_semaphore, #tpu.memory_space<semaphore_mem>>
    %dma_wait3A_106 = tpu.memref_squeeze %dma_wait3A_105 : memref<1x!tpu.dma_semaphore, #tpu.memory_space<semaphore_mem>> -> memref<!tpu.dma_semaphore, #tpu.memory_space<semaphore_mem>>
    %dma_wait3A_107 = tpu.memref_slice %arg2[%dma_wait3A_101, %add3A_9] : memref<8x524288xf32, #tpu.memory_space<hbm>> -> memref<1x8192xf32, #tpu.memory_space<hbm>>
    %dma_wait3A_108 = tpu.memref_squeeze %dma_wait3A_107 : memref<1x8192xf32, #tpu.memory_space<hbm>> -> memref<8192xf32, #tpu.memory_space<hbm>>
    tpu.wait_dma2 semaphore(%dma_wait3A_106 : memref<!tpu.dma_semaphore, #tpu.memory_space<semaphore_mem>>) src(%dma_wait3A_108 : memref<8192xf32, #tpu.memory_space<hbm>>) dst(%arg13 : memref<8192xf32, #tpu.memory_space<vmem>>)
    %dma_wait3A_109 = arith.constant 5 : i32
    %dma_wait3A_110 = arith.constant 5 : i32
    %dma_wait3A_111 = tpu.memref_slice %arg2[%dma_wait3A_109, %add3A_9] : memref<8x524288xf32, #tpu.memory_space<hbm>> -> memref<1x8192xf32, #tpu.memory_space<hbm>>
    %dma_wait3A_112 = tpu.memref_squeeze %dma_wait3A_111 : memref<1x8192xf32, #tpu.memory_space<hbm>> -> memref<8192xf32, #tpu.memory_space<hbm>>
    %dma_wait3A_113 = tpu.memref_slice %arg23[%dma_wait3A_110] : memref<8x!tpu.dma_semaphore, #tpu.memory_space<semaphore_mem>> -> memref<1x!tpu.dma_semaphore, #tpu.memory_space<semaphore_mem>>
    %dma_wait3A_114 = tpu.memref_squeeze %dma_wait3A_113 : memref<1x!tpu.dma_semaphore, #tpu.memory_space<semaphore_mem>> -> memref<!tpu.dma_semaphore, #tpu.memory_space<semaphore_mem>>
    %dma_wait3A_115 = tpu.memref_slice %arg2[%dma_wait3A_109, %add3A_9] : memref<8x524288xf32, #tpu.memory_space<hbm>> -> memref<1x8192xf32, #tpu.memory_space<hbm>>
    %dma_wait3A_116 = tpu.memref_squeeze %dma_wait3A_115 : memref<1x8192xf32, #tpu.memory_space<hbm>> -> memref<8192xf32, #tpu.memory_space<hbm>>
    tpu.wait_dma2 semaphore(%dma_wait3A_114 : memref<!tpu.dma_semaphore, #tpu.memory_space<semaphore_mem>>) src(%dma_wait3A_116 : memref<8192xf32, #tpu.memory_space<hbm>>) dst(%arg14 : memref<8192xf32, #tpu.memory_space<vmem>>)
    %dma_wait3A_117 = arith.constant 6 : i32
    %dma_wait3A_118 = arith.constant 6 : i32
    %dma_wait3A_119 = tpu.memref_slice %arg2[%dma_wait3A_117, %add3A_9] : memref<8x524288xf32, #tpu.memory_space<hbm>> -> memref<1x8192xf32, #tpu.memory_space<hbm>>
    %dma_wait3A_120 = tpu.memref_squeeze %dma_wait3A_119 : memref<1x8192xf32, #tpu.memory_space<hbm>> -> memref<8192xf32, #tpu.memory_space<hbm>>
    %dma_wait3A_121 = tpu.memref_slice %arg23[%dma_wait3A_118] : memref<8x!tpu.dma_semaphore, #tpu.memory_space<semaphore_mem>> -> memref<1x!tpu.dma_semaphore, #tpu.memory_space<semaphore_mem>>
    %dma_wait3A_122 = tpu.memref_squeeze %dma_wait3A_121 : memref<1x!tpu.dma_semaphore, #tpu.memory_space<semaphore_mem>> -> memref<!tpu.dma_semaphore, #tpu.memory_space<semaphore_mem>>
    %dma_wait3A_123 = tpu.memref_slice %arg2[%dma_wait3A_117, %add3A_9] : memref<8x524288xf32, #tpu.memory_space<hbm>> -> memref<1x8192xf32, #tpu.memory_space<hbm>>
    %dma_wait3A_124 = tpu.memref_squeeze %dma_wait3A_123 : memref<1x8192xf32, #tpu.memory_space<hbm>> -> memref<8192xf32, #tpu.memory_space<hbm>>
    tpu.wait_dma2 semaphore(%dma_wait3A_122 : memref<!tpu.dma_semaphore, #tpu.memory_space<semaphore_mem>>) src(%dma_wait3A_124 : memref<8192xf32, #tpu.memory_space<hbm>>) dst(%arg15 : memref<8192xf32, #tpu.memory_space<vmem>>)
    %dma_wait3A_125 = arith.constant 7 : i32
    %dma_wait3A_126 = tpu.memref_slice %arg3[%add3A_9] : memref<524288xi32, #tpu.memory_space<hbm>> -> memref<8192xi32, #tpu.memory_space<hbm>>
    %dma_wait3A_127 = tpu.memref_slice %arg23[%dma_wait3A_125] : memref<8x!tpu.dma_semaphore, #tpu.memory_space<semaphore_mem>> -> memref<1x!tpu.dma_semaphore, #tpu.memory_space<semaphore_mem>>
    %dma_wait3A_128 = tpu.memref_squeeze %dma_wait3A_127 : memref<1x!tpu.dma_semaphore, #tpu.memory_space<semaphore_mem>> -> memref<!tpu.dma_semaphore, #tpu.memory_space<semaphore_mem>>
    %dma_wait3A_129 = tpu.memref_slice %arg3[%add3A_9] : memref<524288xi32, #tpu.memory_space<hbm>> -> memref<8192xi32, #tpu.memory_space<hbm>>
    tpu.wait_dma2 semaphore(%dma_wait3A_128 : memref<!tpu.dma_semaphore, #tpu.memory_space<semaphore_mem>>) src(%dma_wait3A_129 : memref<8192xi32, #tpu.memory_space<hbm>>) dst(%arg16 : memref<8192xi32, #tpu.memory_space<vmem>>)
    %get3A = arith.constant 0 : index
    %get3A_130 = tpu.vector_load %arg9[%get3A] {strides = array<i32>} : memref<8192xf32, #tpu.memory_space<vmem>>, vector<16xf32>,
    %slice3A = vector.extract_strided_slice %get3A_130 {offsets = [0], sizes = [1], strides = [1]} : vector<16xf32> to vector<1xf32>
    %squeeze3A = vector.extract %slice3A[0] : f32 from vector<1xf32>
    %swap3A = arith.constant 0 : i32
    %swap3A_131 = arith.index_cast %swap3A : i32 to index
    %swap3A_132 = memref.load %arg22[%swap3A_131] : memref<1xf32, #tpu.memory_space<smem>>
    memref.store %squeeze3A, %arg22[%swap3A_131] : memref<1xf32, #tpu.memory_space<smem>>
    %scan3A_133 = arith.constant 0 : i32
    %scan3A_134 = arith.constant 512 : i32
    %scan3A_135 = arith.addi %scan3A_133, %scan3A_134 : i32
    %scan3A_136 = arith.constant 1 : i32
    scf.for %scan3A_267 = %scan3A_133 to %scan3A_135 step %scan3A_136  : i32 {
      %mul3A_268 = arith.constant 1 : i32
      %mul3A_269 = arith.muli %scan3A_267, %mul3A_268 : i32
      %add3A_270 = arith.constant 0 : i32
      %add3A_271 = arith.addi %add3A_270, %mul3A_269 : i32
      %mul3A_272 = arith.constant 16 : i32
      %mul3A_273 = arith.muli %add3A_271, %mul3A_272 : i32
      %get3A_274 = arith.index_cast %mul3A_273 : i32 to index
      %get3A_275 = tpu.vector_load %arg9[%get3A_274] {strides = array<i32>} : memref<8192xf32, #tpu.memory_space<vmem>>, vector<16xf32>,
      %get3A_276 = arith.index_cast %mul3A_273 : i32 to index
      %get3A_277 = tpu.vector_load %arg10[%get3A_276] {strides = array<i32>} : memref<8192xf32, #tpu.memory_space<vmem>>, vector<16xf32>,
      %broadcast_in_dim3A_278 = arith.constant true
      %broadcast_in_dim3A_279 = vector.broadcast %broadcast_in_dim3A_278 : i1 to vector<16xi1>
      %masked_cummax3A = tpu.scan <max>, %get3A_277 masked %broadcast_in_dim3A_279 : vector<16xf32>, vector<16xi1> -> vector<16xf32>
      %get3A_280 = arith.constant 0 : i32
      %get3A_281 = arith.index_cast %get3A_280 : i32 to index
      %get3A_282 = memref.load %arg22[%get3A_281] : memref<1xf32, #tpu.memory_space<smem>>
      %max3A = vector.broadcast %get3A_282 : f32 to vector<16xf32>
      %max3A_283 = arith.maximumf %masked_cummax3A, %max3A : vector<16xf32>
      %reduce_max3A = arith.constant true
      %reduce_max3A_284 = vector.broadcast %reduce_max3A : i1 to vector<16xi1>
      %reduce_max3A_285 = tpu.scan <max>, %max3A_283 masked %reduce_max3A_284 : vector<16xf32>, vector<16xi1> -> vector<16xf32>
      %reduce_max3A_286 = vector.extract %reduce_max3A_285[15] : f32 from vector<16xf32>
      %swap3A_287 = arith.constant 0 : i32
      %swap3A_288 = arith.index_cast %swap3A_287 : i32 to index
      %swap3A_289 = memref.load %arg22[%swap3A_288] : memref<1xf32, #tpu.memory_space<smem>>
      memref.store %reduce_max3A_286, %arg22[%swap3A_288] : memref<1xf32, #tpu.memory_space<smem>>
      %sub3A = arith.subf %max3A_283, %get3A_275 : vector<16xf32>
      %exp3A = math.exp %sub3A : vector<16xf32>
      %get3A_290 = arith.index_cast %mul3A_273 : i32 to index
      %get3A_291 = tpu.vector_load %arg11[%get3A_290] {strides = array<i32>} : memref<8192xf32, #tpu.memory_space<vmem>>, vector<16xf32>,
      %mul3A_292 = arith.mulf %exp3A, %get3A_291 : vector<16xf32>
      %get3A_293 = arith.index_cast %mul3A_273 : i32 to index
      %get3A_294 = tpu.vector_load %arg16[%get3A_293] {strides = array<i32>} : memref<8192xi32, #tpu.memory_space<vmem>>, vector<16xi32>,
      tpu.vector_store_idx %arg20[%get3A_294], %mul3A_292 {add = true} : memref<4096xf32, #tpu.memory_space<vmem>>[vector<16xi32>], vector<16xf32>,
      %get3A_295 = arith.index_cast %mul3A_273 : i32 to index
      %get3A_296 = tpu.vector_load %arg12[%get3A_295] {strides = array<i32>} : memref<8192xf32, #tpu.memory_space<vmem>>, vector<16xf32>,
      %mul3A_297 = arith.mulf %mul3A_292, %get3A_296 : vector<16xf32>
      tpu.vector_store_idx %arg17[%get3A_294], %mul3A_297 {add = true} : memref<4096xf32, #tpu.memory_space<vmem>>[vector<16xi32>], vector<16xf32>,
      %get3A_298 = arith.index_cast %mul3A_273 : i32 to index
      %get3A_299 = tpu.vector_load %arg13[%get3A_298] {strides = array<i32>} : memref<8192xf32, #tpu.memory_space<vmem>>, vector<16xf32>,
      %mul3A_300 = arith.mulf %mul3A_292, %get3A_299 : vector<16xf32>
      tpu.vector_store_idx %arg18[%get3A_294], %mul3A_300 {add = true} : memref<4096xf32, #tpu.memory_space<vmem>>[vector<16xi32>], vector<16xf32>,
      %get3A_301 = arith.index_cast %mul3A_273 : i32 to index
      %get3A_302 = tpu.vector_load %arg14[%get3A_301] {strides = array<i32>} : memref<8192xf32, #tpu.memory_space<vmem>>, vector<16xf32>,
      %mul3A_303 = arith.mulf %mul3A_292, %get3A_302 : vector<16xf32>
      tpu.vector_store_idx %arg19[%get3A_294], %mul3A_303 {add = true} : memref<4096xf32, #tpu.memory_space<vmem>>[vector<16xi32>], vector<16xf32>,
      %get3A_304 = arith.index_cast %mul3A_273 : i32 to index
      %get3A_305 = tpu.vector_load %arg15[%get3A_304] {strides = array<i32>} : memref<8192xf32, #tpu.memory_space<vmem>>, vector<16xf32>,
      %mul3A_306 = arith.mulf %mul3A_292, %get3A_305 : vector<16xf32>
      tpu.vector_store_idx %arg21[%get3A_294], %mul3A_306 {add = true} : memref<4096xf32, #tpu.memory_space<vmem>>[vector<16xi32>], vector<16xf32>,
    }
    %scan3A_137 = arith.constant 512 : i32
    %add3A_138 = arith.constant 8192 : i32
    %add3A_139 = arith.addi %mul3A_2, %add3A_138 : i32
    %dma_start3A_140 = arith.constant 0 : i32
    %dma_start3A_141 = arith.constant 0 : i32
    %dma_start3A_142 = tpu.memref_slice %arg2[%dma_start3A_140, %add3A_139] : memref<8x524288xf32, #tpu.memory_space<hbm>> -> memref<1x8192xf32, #tpu.memory_space<hbm>>
    %dma_start3A_143 = tpu.memref_squeeze %dma_start3A_142 : memref<1x8192xf32, #tpu.memory_space<hbm>> -> memref<8192xf32, #tpu.memory_space<hbm>>
    %dma_start3A_144 = tpu.memref_slice %arg23[%dma_start3A_141] : memref<8x!tpu.dma_semaphore, #tpu.memory_space<semaphore_mem>> -> memref<1x!tpu.dma_semaphore, #tpu.memory_space<semaphore_mem>>
    %dma_start3A_145 = tpu.memref_squeeze %dma_start3A_144 : memref<1x!tpu.dma_semaphore, #tpu.memory_space<semaphore_mem>> -> memref<!tpu.dma_semaphore, #tpu.memory_space<semaphore_mem>>
    %dma_start3A_146 = tpu.memref_slice %arg2[%dma_start3A_140, %add3A_139] : memref<8x524288xf32, #tpu.memory_space<hbm>> -> memref<1x8192xf32, #tpu.memory_space<hbm>>
    %dma_start3A_147 = tpu.memref_squeeze %dma_start3A_146 : memref<1x8192xf32, #tpu.memory_space<hbm>> -> memref<8192xf32, #tpu.memory_space<hbm>>
    tpu.enqueue_dma source(%dma_start3A_147 : memref<8192xf32, #tpu.memory_space<hbm>>) target(%arg9 : memref<8192xf32, #tpu.memory_space<vmem>>) target_semaphore(%dma_start3A_145 : memref<!tpu.dma_semaphore, #tpu.memory_space<semaphore_mem>>)
    %dma_start3A_148 = arith.constant 1 : i32
    %dma_start3A_149 = arith.constant 1 : i32
    %dma_start3A_150 = tpu.memref_slice %arg2[%dma_start3A_148, %add3A_139] : memref<8x524288xf32, #tpu.memory_space<hbm>> -> memref<1x8192xf32, #tpu.memory_space<hbm>>
    %dma_start3A_151 = tpu.memref_squeeze %dma_start3A_150 : memref<1x8192xf32, #tpu.memory_space<hbm>> -> memref<8192xf32, #tpu.memory_space<hbm>>
    %dma_start3A_152 = tpu.memref_slice %arg23[%dma_start3A_149] : memref<8x!tpu.dma_semaphore, #tpu.memory_space<semaphore_mem>> -> memref<1x!tpu.dma_semaphore, #tpu.memory_space<semaphore_mem>>
    %dma_start3A_153 = tpu.memref_squeeze %dma_start3A_152 : memref<1x!tpu.dma_semaphore, #tpu.memory_space<semaphore_mem>> -> memref<!tpu.dma_semaphore, #tpu.memory_space<semaphore_mem>>
    %dma_start3A_154 = tpu.memref_slice %arg2[%dma_start3A_148, %add3A_139] : memref<8x524288xf32, #tpu.memory_space<hbm>> -> memref<1x8192xf32, #tpu.memory_space<hbm>>
    %dma_start3A_155 = tpu.memref_squeeze %dma_start3A_154 : memref<1x8192xf32, #tpu.memory_space<hbm>> -> memref<8192xf32, #tpu.memory_space<hbm>>
    tpu.enqueue_dma source(%dma_start3A_155 : memref<8192xf32, #tpu.memory_space<hbm>>) target(%arg10 : memref<8192xf32, #tpu.memory_space<vmem>>) target_semaphore(%dma_start3A_153 : memref<!tpu.dma_semaphore, #tpu.memory_space<semaphore_mem>>)
    %dma_start3A_156 = arith.constant 2 : i32
    %dma_start3A_157 = arith.constant 2 : i32
    %dma_start3A_158 = tpu.memref_slice %arg2[%dma_start3A_156, %add3A_139] : memref<8x524288xf32, #tpu.memory_space<hbm>> -> memref<1x8192xf32, #tpu.memory_space<hbm>>
    %dma_start3A_159 = tpu.memref_squeeze %dma_start3A_158 : memref<1x8192xf32, #tpu.memory_space<hbm>> -> memref<8192xf32, #tpu.memory_space<hbm>>
    %dma_start3A_160 = tpu.memref_slice %arg23[%dma_start3A_157] : memref<8x!tpu.dma_semaphore, #tpu.memory_space<semaphore_mem>> -> memref<1x!tpu.dma_semaphore, #tpu.memory_space<semaphore_mem>>
    %dma_start3A_161 = tpu.memref_squeeze %dma_start3A_160 : memref<1x!tpu.dma_semaphore, #tpu.memory_space<semaphore_mem>> -> memref<!tpu.dma_semaphore, #tpu.memory_space<semaphore_mem>>
    %dma_start3A_162 = tpu.memref_slice %arg2[%dma_start3A_156, %add3A_139] : memref<8x524288xf32, #tpu.memory_space<hbm>> -> memref<1x8192xf32, #tpu.memory_space<hbm>>
    %dma_start3A_163 = tpu.memref_squeeze %dma_start3A_162 : memref<1x8192xf32, #tpu.memory_space<hbm>> -> memref<8192xf32, #tpu.memory_space<hbm>>
    tpu.enqueue_dma source(%dma_start3A_163 : memref<8192xf32, #tpu.memory_space<hbm>>) target(%arg11 : memref<8192xf32, #tpu.memory_space<vmem>>) target_semaphore(%dma_start3A_161 : memref<!tpu.dma_semaphore, #tpu.memory_space<semaphore_mem>>)
    %dma_start3A_164 = arith.constant 3 : i32
    %dma_start3A_165 = arith.constant 3 : i32
    %dma_start3A_166 = tpu.memref_slice %arg2[%dma_start3A_164, %add3A_139] : memref<8x524288xf32, #tpu.memory_space<hbm>> -> memref<1x8192xf32, #tpu.memory_space<hbm>>
    %dma_start3A_167 = tpu.memref_squeeze %dma_start3A_166 : memref<1x8192xf32, #tpu.memory_space<hbm>> -> memref<8192xf32, #tpu.memory_space<hbm>>
    %dma_start3A_168 = tpu.memref_slice %arg23[%dma_start3A_165] : memref<8x!tpu.dma_semaphore, #tpu.memory_space<semaphore_mem>> -> memref<1x!tpu.dma_semaphore, #tpu.memory_space<semaphore_mem>>
    %dma_start3A_169 = tpu.memref_squeeze %dma_start3A_168 : memref<1x!tpu.dma_semaphore, #tpu.memory_space<semaphore_mem>> -> memref<!tpu.dma_semaphore, #tpu.memory_space<semaphore_mem>>
    %dma_start3A_170 = tpu.memref_slice %arg2[%dma_start3A_164, %add3A_139] : memref<8x524288xf32, #tpu.memory_space<hbm>> -> memref<1x8192xf32, #tpu.memory_space<hbm>>
    %dma_start3A_171 = tpu.memref_squeeze %dma_start3A_170 : memref<1x8192xf32, #tpu.memory_space<hbm>> -> memref<8192xf32, #tpu.memory_space<hbm>>
    tpu.enqueue_dma source(%dma_start3A_171 : memref<8192xf32, #tpu.memory_space<hbm>>) target(%arg12 : memref<8192xf32, #tpu.memory_space<vmem>>) target_semaphore(%dma_start3A_169 : memref<!tpu.dma_semaphore, #tpu.memory_space<semaphore_mem>>)
    %dma_start3A_172 = arith.constant 4 : i32
    %dma_start3A_173 = arith.constant 4 : i32
    %dma_start3A_174 = tpu.memref_slice %arg2[%dma_start3A_172, %add3A_139] : memref<8x524288xf32, #tpu.memory_space<hbm>> -> memref<1x8192xf32, #tpu.memory_space<hbm>>
    %dma_start3A_175 = tpu.memref_squeeze %dma_start3A_174 : memref<1x8192xf32, #tpu.memory_space<hbm>> -> memref<8192xf32, #tpu.memory_space<hbm>>
    %dma_start3A_176 = tpu.memref_slice %arg23[%dma_start3A_173] : memref<8x!tpu.dma_semaphore, #tpu.memory_space<semaphore_mem>> -> memref<1x!tpu.dma_semaphore, #tpu.memory_space<semaphore_mem>>
    %dma_start3A_177 = tpu.memref_squeeze %dma_start3A_176 : memref<1x!tpu.dma_semaphore, #tpu.memory_space<semaphore_mem>> -> memref<!tpu.dma_semaphore, #tpu.memory_space<semaphore_mem>>
    %dma_start3A_178 = tpu.memref_slice %arg2[%dma_start3A_172, %add3A_139] : memref<8x524288xf32, #tpu.memory_space<hbm>> -> memref<1x8192xf32, #tpu.memory_space<hbm>>
    %dma_start3A_179 = tpu.memref_squeeze %dma_start3A_178 : memref<1x8192xf32, #tpu.memory_space<hbm>> -> memref<8192xf32, #tpu.memory_space<hbm>>
    tpu.enqueue_dma source(%dma_start3A_179 : memref<8192xf32, #tpu.memory_space<hbm>>) target(%arg13 : memref<8192xf32, #tpu.memory_space<vmem>>) target_semaphore(%dma_start3A_177 : memref<!tpu.dma_semaphore, #tpu.memory_space<semaphore_mem>>)
    %dma_start3A_180 = arith.constant 5 : i32
    %dma_start3A_181 = arith.constant 5 : i32
    %dma_start3A_182 = tpu.memref_slice %arg2[%dma_start3A_180, %add3A_139] : memref<8x524288xf32, #tpu.memory_space<hbm>> -> memref<1x8192xf32, #tpu.memory_space<hbm>>
    %dma_start3A_183 = tpu.memref_squeeze %dma_start3A_182 : memref<1x8192xf32, #tpu.memory_space<hbm>> -> memref<8192xf32, #tpu.memory_space<hbm>>
    %dma_start3A_184 = tpu.memref_slice %arg23[%dma_start3A_181] : memref<8x!tpu.dma_semaphore, #tpu.memory_space<semaphore_mem>> -> memref<1x!tpu.dma_semaphore, #tpu.memory_space<semaphore_mem>>
    %dma_start3A_185 = tpu.memref_squeeze %dma_start3A_184 : memref<1x!tpu.dma_semaphore, #tpu.memory_space<semaphore_mem>> -> memref<!tpu.dma_semaphore, #tpu.memory_space<semaphore_mem>>
    %dma_start3A_186 = tpu.memref_slice %arg2[%dma_start3A_180, %add3A_139] : memref<8x524288xf32, #tpu.memory_space<hbm>> -> memref<1x8192xf32, #tpu.memory_space<hbm>>
    %dma_start3A_187 = tpu.memref_squeeze %dma_start3A_186 : memref<1x8192xf32, #tpu.memory_space<hbm>> -> memref<8192xf32, #tpu.memory_space<hbm>>
    tpu.enqueue_dma source(%dma_start3A_187 : memref<8192xf32, #tpu.memory_space<hbm>>) target(%arg14 : memref<8192xf32, #tpu.memory_space<vmem>>) target_semaphore(%dma_start3A_185 : memref<!tpu.dma_semaphore, #tpu.memory_space<semaphore_mem>>)
    %dma_start3A_188 = arith.constant 6 : i32
    %dma_start3A_189 = arith.constant 6 : i32
    %dma_start3A_190 = tpu.memref_slice %arg2[%dma_start3A_188, %add3A_139] : memref<8x524288xf32, #tpu.memory_space<hbm>> -> memref<1x8192xf32, #tpu.memory_space<hbm>>
    %dma_start3A_191 = tpu.memref_squeeze %dma_start3A_190 : memref<1x8192xf32, #tpu.memory_space<hbm>> -> memref<8192xf32, #tpu.memory_space<hbm>>
    %dma_start3A_192 = tpu.memref_slice %arg23[%dma_start3A_189] : memref<8x!tpu.dma_semaphore, #tpu.memory_space<semaphore_mem>> -> memref<1x!tpu.dma_semaphore, #tpu.memory_space<semaphore_mem>>
    %dma_start3A_193 = tpu.memref_squeeze %dma_start3A_192 : memref<1x!tpu.dma_semaphore, #tpu.memory_space<semaphore_mem>> -> memref<!tpu.dma_semaphore, #tpu.memory_space<semaphore_mem>>
    %dma_start3A_194 = tpu.memref_slice %arg2[%dma_start3A_188, %add3A_139] : memref<8x524288xf32, #tpu.memory_space<hbm>> -> memref<1x8192xf32, #tpu.memory_space<hbm>>
    %dma_start3A_195 = tpu.memref_squeeze %dma_start3A_194 : memref<1x8192xf32, #tpu.memory_space<hbm>> -> memref<8192xf32, #tpu.memory_space<hbm>>
    tpu.enqueue_dma source(%dma_start3A_195 : memref<8192xf32, #tpu.memory_space<hbm>>) target(%arg15 : memref<8192xf32, #tpu.memory_space<vmem>>) target_semaphore(%dma_start3A_193 : memref<!tpu.dma_semaphore, #tpu.memory_space<semaphore_mem>>)
    %dma_start3A_196 = arith.constant 7 : i32
    %dma_start3A_197 = tpu.memref_slice %arg3[%add3A_139] : memref<524288xi32, #tpu.memory_space<hbm>> -> memref<8192xi32, #tpu.memory_space<hbm>>
    %dma_start3A_198 = tpu.memref_slice %arg23[%dma_start3A_196] : memref<8x!tpu.dma_semaphore, #tpu.memory_space<semaphore_mem>> -> memref<1x!tpu.dma_semaphore, #tpu.memory_space<semaphore_mem>>
    %dma_start3A_199 = tpu.memref_squeeze %dma_start3A_198 : memref<1x!tpu.dma_semaphore, #tpu.memory_space<semaphore_mem>> -> memref<!tpu.dma_semaphore, #tpu.memory_space<semaphore_mem>>
    %dma_start3A_200 = tpu.memref_slice %arg3[%add3A_139] : memref<524288xi32, #tpu.memory_space<hbm>> -> memref<8192xi32, #tpu.memory_space<hbm>>
    tpu.enqueue_dma source(%dma_start3A_200 : memref<8192xi32, #tpu.memory_space<hbm>>) target(%arg16 : memref<8192xi32, #tpu.memory_space<vmem>>) target_semaphore(%dma_start3A_199 : memref<!tpu.dma_semaphore, #tpu.memory_space<semaphore_mem>>)
    %dma_wait3A_201 = arith.constant 0 : i32
    %dma_wait3A_202 = arith.constant 0 : i32
    %dma_wait3A_203 = tpu.memref_slice %arg2[%dma_wait3A_201, %add3A_139] : memref<8x524288xf32, #tpu.memory_space<hbm>> -> memref<1x8192xf32, #tpu.memory_space<hbm>>
    %dma_wait3A_204 = tpu.memref_squeeze %dma_wait3A_203 : memref<1x8192xf32, #tpu.memory_space<hbm>> -> memref<8192xf32, #tpu.memory_space<hbm>>
    %dma_wait3A_205 = tpu.memref_slice %arg23[%dma_wait3A_202] : memref<8x!tpu.dma_semaphore, #tpu.memory_space<semaphore_mem>> -> memref<1x!tpu.dma_semaphore, #tpu.memory_space<semaphore_mem>>
    %dma_wait3A_206 = tpu.memref_squeeze %dma_wait3A_205 : memref<1x!tpu.dma_semaphore, #tpu.memory_space<semaphore_mem>> -> memref<!tpu.dma_semaphore, #tpu.memory_space<semaphore_mem>>
    %dma_wait3A_207 = tpu.memref_slice %arg2[%dma_wait3A_201, %add3A_139] : memref<8x524288xf32, #tpu.memory_space<hbm>> -> memref<1x8192xf32, #tpu.memory_space<hbm>>
    %dma_wait3A_208 = tpu.memref_squeeze %dma_wait3A_207 : memref<1x8192xf32, #tpu.memory_space<hbm>> -> memref<8192xf32, #tpu.memory_space<hbm>>
    tpu.wait_dma2 semaphore(%dma_wait3A_206 : memref<!tpu.dma_semaphore, #tpu.memory_space<semaphore_mem>>) src(%dma_wait3A_208 : memref<8192xf32, #tpu.memory_space<hbm>>) dst(%arg9 : memref<8192xf32, #tpu.memory_space<vmem>>)
    %dma_wait3A_209 = arith.constant 1 : i32
    %dma_wait3A_210 = arith.constant 1 : i32
    %dma_wait3A_211 = tpu.memref_slice %arg2[%dma_wait3A_209, %add3A_139] : memref<8x524288xf32, #tpu.memory_space<hbm>> -> memref<1x8192xf32, #tpu.memory_space<hbm>>
    %dma_wait3A_212 = tpu.memref_squeeze %dma_wait3A_211 : memref<1x8192xf32, #tpu.memory_space<hbm>> -> memref<8192xf32, #tpu.memory_space<hbm>>
    %dma_wait3A_213 = tpu.memref_slice %arg23[%dma_wait3A_210] : memref<8x!tpu.dma_semaphore, #tpu.memory_space<semaphore_mem>> -> memref<1x!tpu.dma_semaphore, #tpu.memory_space<semaphore_mem>>
    %dma_wait3A_214 = tpu.memref_squeeze %dma_wait3A_213 : memref<1x!tpu.dma_semaphore, #tpu.memory_space<semaphore_mem>> -> memref<!tpu.dma_semaphore, #tpu.memory_space<semaphore_mem>>
    %dma_wait3A_215 = tpu.memref_slice %arg2[%dma_wait3A_209, %add3A_139] : memref<8x524288xf32, #tpu.memory_space<hbm>> -> memref<1x8192xf32, #tpu.memory_space<hbm>>
    %dma_wait3A_216 = tpu.memref_squeeze %dma_wait3A_215 : memref<1x8192xf32, #tpu.memory_space<hbm>> -> memref<8192xf32, #tpu.memory_space<hbm>>
    tpu.wait_dma2 semaphore(%dma_wait3A_214 : memref<!tpu.dma_semaphore, #tpu.memory_space<semaphore_mem>>) src(%dma_wait3A_216 : memref<8192xf32, #tpu.memory_space<hbm>>) dst(%arg10 : memref<8192xf32, #tpu.memory_space<vmem>>)
    %dma_wait3A_217 = arith.constant 2 : i32
    %dma_wait3A_218 = arith.constant 2 : i32
    %dma_wait3A_219 = tpu.memref_slice %arg2[%dma_wait3A_217, %add3A_139] : memref<8x524288xf32, #tpu.memory_space<hbm>> -> memref<1x8192xf32, #tpu.memory_space<hbm>>
    %dma_wait3A_220 = tpu.memref_squeeze %dma_wait3A_219 : memref<1x8192xf32, #tpu.memory_space<hbm>> -> memref<8192xf32, #tpu.memory_space<hbm>>
    %dma_wait3A_221 = tpu.memref_slice %arg23[%dma_wait3A_218] : memref<8x!tpu.dma_semaphore, #tpu.memory_space<semaphore_mem>> -> memref<1x!tpu.dma_semaphore, #tpu.memory_space<semaphore_mem>>
    %dma_wait3A_222 = tpu.memref_squeeze %dma_wait3A_221 : memref<1x!tpu.dma_semaphore, #tpu.memory_space<semaphore_mem>> -> memref<!tpu.dma_semaphore, #tpu.memory_space<semaphore_mem>>
    %dma_wait3A_223 = tpu.memref_slice %arg2[%dma_wait3A_217, %add3A_139] : memref<8x524288xf32, #tpu.memory_space<hbm>> -> memref<1x8192xf32, #tpu.memory_space<hbm>>
    %dma_wait3A_224 = tpu.memref_squeeze %dma_wait3A_223 : memref<1x8192xf32, #tpu.memory_space<hbm>> -> memref<8192xf32, #tpu.memory_space<hbm>>
    tpu.wait_dma2 semaphore(%dma_wait3A_222 : memref<!tpu.dma_semaphore, #tpu.memory_space<semaphore_mem>>) src(%dma_wait3A_224 : memref<8192xf32, #tpu.memory_space<hbm>>) dst(%arg11 : memref<8192xf32, #tpu.memory_space<vmem>>)
    %dma_wait3A_225 = arith.constant 3 : i32
    %dma_wait3A_226 = arith.constant 3 : i32
    %dma_wait3A_227 = tpu.memref_slice %arg2[%dma_wait3A_225, %add3A_139] : memref<8x524288xf32, #tpu.memory_space<hbm>> -> memref<1x8192xf32, #tpu.memory_space<hbm>>
    %dma_wait3A_228 = tpu.memref_squeeze %dma_wait3A_227 : memref<1x8192xf32, #tpu.memory_space<hbm>> -> memref<8192xf32, #tpu.memory_space<hbm>>
    %dma_wait3A_229 = tpu.memref_slice %arg23[%dma_wait3A_226] : memref<8x!tpu.dma_semaphore, #tpu.memory_space<semaphore_mem>> -> memref<1x!tpu.dma_semaphore, #tpu.memory_space<semaphore_mem>>
    %dma_wait3A_230 = tpu.memref_squeeze %dma_wait3A_229 : memref<1x!tpu.dma_semaphore, #tpu.memory_space<semaphore_mem>> -> memref<!tpu.dma_semaphore, #tpu.memory_space<semaphore_mem>>
    %dma_wait3A_231 = tpu.memref_slice %arg2[%dma_wait3A_225, %add3A_139] : memref<8x524288xf32, #tpu.memory_space<hbm>> -> memref<1x8192xf32, #tpu.memory_space<hbm>>
    %dma_wait3A_232 = tpu.memref_squeeze %dma_wait3A_231 : memref<1x8192xf32, #tpu.memory_space<hbm>> -> memref<8192xf32, #tpu.memory_space<hbm>>
    tpu.wait_dma2 semaphore(%dma_wait3A_230 : memref<!tpu.dma_semaphore, #tpu.memory_space<semaphore_mem>>) src(%dma_wait3A_232 : memref<8192xf32, #tpu.memory_space<hbm>>) dst(%arg12 : memref<8192xf32, #tpu.memory_space<vmem>>)
    %dma_wait3A_233 = arith.constant 4 : i32
    %dma_wait3A_234 = arith.constant 4 : i32
    %dma_wait3A_235 = tpu.memref_slice %arg2[%dma_wait3A_233, %add3A_139] : memref<8x524288xf32, #tpu.memory_space<hbm>> -> memref<1x8192xf32, #tpu.memory_space<hbm>>
    %dma_wait3A_236 = tpu.memref_squeeze %dma_wait3A_235 : memref<1x8192xf32, #tpu.memory_space<hbm>> -> memref<8192xf32, #tpu.memory_space<hbm>>
    %dma_wait3A_237 = tpu.memref_slice %arg23[%dma_wait3A_234] : memref<8x!tpu.dma_semaphore, #tpu.memory_space<semaphore_mem>> -> memref<1x!tpu.dma_semaphore, #tpu.memory_space<semaphore_mem>>
    %dma_wait3A_238 = tpu.memref_squeeze %dma_wait3A_237 : memref<1x!tpu.dma_semaphore, #tpu.memory_space<semaphore_mem>> -> memref<!tpu.dma_semaphore, #tpu.memory_space<semaphore_mem>>
    %dma_wait3A_239 = tpu.memref_slice %arg2[%dma_wait3A_233, %add3A_139] : memref<8x524288xf32, #tpu.memory_space<hbm>> -> memref<1x8192xf32, #tpu.memory_space<hbm>>
    %dma_wait3A_240 = tpu.memref_squeeze %dma_wait3A_239 : memref<1x8192xf32, #tpu.memory_space<hbm>> -> memref<8192xf32, #tpu.memory_space<hbm>>
    tpu.wait_dma2 semaphore(%dma_wait3A_238 : memref<!tpu.dma_semaphore, #tpu.memory_space<semaphore_mem>>) src(%dma_wait3A_240 : memref<8192xf32, #tpu.memory_space<hbm>>) dst(%arg13 : memref<8192xf32, #tpu.memory_space<vmem>>)
    %dma_wait3A_241 = arith.constant 5 : i32
    %dma_wait3A_242 = arith.constant 5 : i32
    %dma_wait3A_243 = tpu.memref_slice %arg2[%dma_wait3A_241, %add3A_139] : memref<8x524288xf32, #tpu.memory_space<hbm>> -> memref<1x8192xf32, #tpu.memory_space<hbm>>
    %dma_wait3A_244 = tpu.memref_squeeze %dma_wait3A_243 : memref<1x8192xf32, #tpu.memory_space<hbm>> -> memref<8192xf32, #tpu.memory_space<hbm>>
    %dma_wait3A_245 = tpu.memref_slice %arg23[%dma_wait3A_242] : memref<8x!tpu.dma_semaphore, #tpu.memory_space<semaphore_mem>> -> memref<1x!tpu.dma_semaphore, #tpu.memory_space<semaphore_mem>>
    %dma_wait3A_246 = tpu.memref_squeeze %dma_wait3A_245 : memref<1x!tpu.dma_semaphore, #tpu.memory_space<semaphore_mem>> -> memref<!tpu.dma_semaphore, #tpu.memory_space<semaphore_mem>>
    %dma_wait3A_247 = tpu.memref_slice %arg2[%dma_wait3A_241, %add3A_139] : memref<8x524288xf32, #tpu.memory_space<hbm>> -> memref<1x8192xf32, #tpu.memory_space<hbm>>
    %dma_wait3A_248 = tpu.memref_squeeze %dma_wait3A_247 : memref<1x8192xf32, #tpu.memory_space<hbm>> -> memref<8192xf32, #tpu.memory_space<hbm>>
    tpu.wait_dma2 semaphore(%dma_wait3A_246 : memref<!tpu.dma_semaphore, #tpu.memory_space<semaphore_mem>>) src(%dma_wait3A_248 : memref<8192xf32, #tpu.memory_space<hbm>>) dst(%arg14 : memref<8192xf32, #tpu.memory_space<vmem>>)
    %dma_wait3A_249 = arith.constant 6 : i32
    %dma_wait3A_250 = arith.constant 6 : i32
    %dma_wait3A_251 = tpu.memref_slice %arg2[%dma_wait3A_249, %add3A_139] : memref<8x524288xf32, #tpu.memory_space<hbm>> -> memref<1x8192xf32, #tpu.memory_space<hbm>>
    %dma_wait3A_252 = tpu.memref_squeeze %dma_wait3A_251 : memref<1x8192xf32, #tpu.memory_space<hbm>> -> memref<8192xf32, #tpu.memory_space<hbm>>
    %dma_wait3A_253 = tpu.memref_slice %arg23[%dma_wait3A_250] : memref<8x!tpu.dma_semaphore, #tpu.memory_space<semaphore_mem>> -> memref<1x!tpu.dma_semaphore, #tpu.memory_space<semaphore_mem>>
    %dma_wait3A_254 = tpu.memref_squeeze %dma_wait3A_253 : memref<1x!tpu.dma_semaphore, #tpu.memory_space<semaphore_mem>> -> memref<!tpu.dma_semaphore, #tpu.memory_space<semaphore_mem>>
    %dma_wait3A_255 = tpu.memref_slice %arg2[%dma_wait3A_249, %add3A_139] : memref<8x524288xf32, #tpu.memory_space<hbm>> -> memref<1x8192xf32, #tpu.memory_space<hbm>>
    %dma_wait3A_256 = tpu.memref_squeeze %dma_wait3A_255 : memref<1x8192xf32, #tpu.memory_space<hbm>> -> memref<8192xf32, #tpu.memory_space<hbm>>
    tpu.wait_dma2 semaphore(%dma_wait3A_254 : memref<!tpu.dma_semaphore, #tpu.memory_space<semaphore_mem>>) src(%dma_wait3A_256 : memref<8192xf32, #tpu.memory_space<hbm>>) dst(%arg15 : memref<8192xf32, #tpu.memory_space<vmem>>)
    %dma_wait3A_257 = arith.constant 7 : i32
    %dma_wait3A_258 = tpu.memref_slice %arg3[%add3A_139] : memref<524288xi32, #tpu.memory_space<hbm>> -> memref<8192xi32, #tpu.memory_space<hbm>>
    %dma_wait3A_259 = tpu.memref_slice %arg23[%dma_wait3A_257] : memref<8x!tpu.dma_semaphore, #tpu.memory_space<semaphore_mem>> -> memref<1x!tpu.dma_semaphore, #tpu.memory_space<semaphore_mem>>
    %dma_wait3A_260 = tpu.memref_squeeze %dma_wait3A_259 : memref<1x!tpu.dma_semaphore, #tpu.memory_space<semaphore_mem>> -> memref<!tpu.dma_semaphore, #tpu.memory_space<semaphore_mem>>
    %dma_wait3A_261 = tpu.memref_slice %arg3[%add3A_139] : memref<524288xi32, #tpu.memory_space<hbm>> -> memref<8192xi32, #tpu.memory_space<hbm>>
    tpu.wait_dma2 semaphore(%dma_wait3A_260 : memref<!tpu.dma_semaphore, #tpu.memory_space<semaphore_mem>>) src(%dma_wait3A_261 : memref<8192xi32, #tpu.memory_space<hbm>>) dst(%arg16 : memref<8192xi32, #tpu.memory_space<vmem>>)
    %scan3A_262 = arith.constant 0 : i32
    %scan3A_263 = arith.constant 512 : i32
    %scan3A_264 = arith.addi %scan3A_262, %scan3A_263 : i32
    %scan3A_265 = arith.constant 1 : i32
    scf.for %scan3A_267 = %scan3A_262 to %scan3A_264 step %scan3A_265  : i32 {
      %mul3A_268 = arith.constant 1 : i32
      %mul3A_269 = arith.muli %scan3A_267, %mul3A_268 : i32
      %add3A_270 = arith.constant 0 : i32
      %add3A_271 = arith.addi %add3A_270, %mul3A_269 : i32
      %mul3A_272 = arith.constant 16 : i32
      %mul3A_273 = arith.muli %add3A_271, %mul3A_272 : i32
      %get3A_274 = arith.index_cast %mul3A_273 : i32 to index
      %get3A_275 = tpu.vector_load %arg9[%get3A_274] {strides = array<i32>} : memref<8192xf32, #tpu.memory_space<vmem>>, vector<16xf32>,
      %get3A_276 = arith.index_cast %mul3A_273 : i32 to index
      %get3A_277 = tpu.vector_load %arg10[%get3A_276] {strides = array<i32>} : memref<8192xf32, #tpu.memory_space<vmem>>, vector<16xf32>,
      %broadcast_in_dim3A_278 = arith.constant true
      %broadcast_in_dim3A_279 = vector.broadcast %broadcast_in_dim3A_278 : i1 to vector<16xi1>
      %masked_cummax3A = tpu.scan <max>, %get3A_277 masked %broadcast_in_dim3A_279 : vector<16xf32>, vector<16xi1> -> vector<16xf32>
      %get3A_280 = arith.constant 0 : i32
      %get3A_281 = arith.index_cast %get3A_280 : i32 to index
      %get3A_282 = memref.load %arg22[%get3A_281] : memref<1xf32, #tpu.memory_space<smem>>
      %max3A = vector.broadcast %get3A_282 : f32 to vector<16xf32>
      %max3A_283 = arith.maximumf %masked_cummax3A, %max3A : vector<16xf32>
      %reduce_max3A = arith.constant true
      %reduce_max3A_284 = vector.broadcast %reduce_max3A : i1 to vector<16xi1>
      %reduce_max3A_285 = tpu.scan <max>, %max3A_283 masked %reduce_max3A_284 : vector<16xf32>, vector<16xi1> -> vector<16xf32>
      %reduce_max3A_286 = vector.extract %reduce_max3A_285[15] : f32 from vector<16xf32>
      %swap3A_287 = arith.constant 0 : i32
      %swap3A_288 = arith.index_cast %swap3A_287 : i32 to index
      %swap3A_289 = memref.load %arg22[%swap3A_288] : memref<1xf32, #tpu.memory_space<smem>>
      memref.store %reduce_max3A_286, %arg22[%swap3A_288] : memref<1xf32, #tpu.memory_space<smem>>
      %sub3A = arith.subf %max3A_283, %get3A_275 : vector<16xf32>
      %exp3A = math.exp %sub3A : vector<16xf32>
      %get3A_290 = arith.index_cast %mul3A_273 : i32 to index
      %get3A_291 = tpu.vector_load %arg11[%get3A_290] {strides = array<i32>} : memref<8192xf32, #tpu.memory_space<vmem>>, vector<16xf32>,
      %mul3A_292 = arith.mulf %exp3A, %get3A_291 : vector<16xf32>
      %get3A_293 = arith.index_cast %mul3A_273 : i32 to index
      %get3A_294 = tpu.vector_load %arg16[%get3A_293] {strides = array<i32>} : memref<8192xi32, #tpu.memory_space<vmem>>, vector<16xi32>,
      tpu.vector_store_idx %arg20[%get3A_294], %mul3A_292 {add = true} : memref<4096xf32, #tpu.memory_space<vmem>>[vector<16xi32>], vector<16xf32>,
      %get3A_295 = arith.index_cast %mul3A_273 : i32 to index
      %get3A_296 = tpu.vector_load %arg12[%get3A_295] {strides = array<i32>} : memref<8192xf32, #tpu.memory_space<vmem>>, vector<16xf32>,
      %mul3A_297 = arith.mulf %mul3A_292, %get3A_296 : vector<16xf32>
      tpu.vector_store_idx %arg17[%get3A_294], %mul3A_297 {add = true} : memref<4096xf32, #tpu.memory_space<vmem>>[vector<16xi32>], vector<16xf32>,
      %get3A_298 = arith.index_cast %mul3A_273 : i32 to index
      %get3A_299 = tpu.vector_load %arg13[%get3A_298] {strides = array<i32>} : memref<8192xf32, #tpu.memory_space<vmem>>, vector<16xf32>,
      %mul3A_300 = arith.mulf %mul3A_292, %get3A_299 : vector<16xf32>
      tpu.vector_store_idx %arg18[%get3A_294], %mul3A_300 {add = true} : memref<4096xf32, #tpu.memory_space<vmem>>[vector<16xi32>], vector<16xf32>,
      %get3A_301 = arith.index_cast %mul3A_273 : i32 to index
      %get3A_302 = tpu.vector_load %arg14[%get3A_301] {strides = array<i32>} : memref<8192xf32, #tpu.memory_space<vmem>>, vector<16xf32>,
      %mul3A_303 = arith.mulf %mul3A_292, %get3A_302 : vector<16xf32>
      tpu.vector_store_idx %arg19[%get3A_294], %mul3A_303 {add = true} : memref<4096xf32, #tpu.memory_space<vmem>>[vector<16xi32>], vector<16xf32>,
      %get3A_304 = arith.index_cast %mul3A_273 : i32 to index
      %get3A_305 = tpu.vector_load %arg15[%get3A_304] {strides = array<i32>} : memref<8192xf32, #tpu.memory_space<vmem>>, vector<16xf32>,
      %mul3A_306 = arith.mulf %mul3A_292, %get3A_305 : vector<16xf32>
      tpu.vector_store_idx %arg21[%get3A_294], %mul3A_306 {add = true} : memref<4096xf32, #tpu.memory_space<vmem>>[vector<16xi32>], vector<16xf32>,
    }
    %scan3A_266 = arith.constant 512 : i32
    "tpu.region"() ({
      %run_scoped3A = tpu.sem_alloc : memref<!tpu.dma_semaphore, #tpu.memory_space<semaphore_mem>>
      %dma_start3A_267 = arith.constant 0 : i32
      %dma_start3A_268 = tpu.memref_slice %arg4[%add3A, %dma_start3A_267] : memref<32x4096xf32, #tpu.memory_space<hbm>> -> memref<1x4096xf32, #tpu.memory_space<hbm>>
      %dma_start3A_269 = tpu.memref_squeeze %dma_start3A_268 : memref<1x4096xf32, #tpu.memory_space<hbm>> -> memref<4096xf32, #tpu.memory_space<hbm>>
      %dma_start3A_270 = arith.constant 0 : i32
      %dma_start3A_271 = tpu.memref_slice %arg4[%add3A, %dma_start3A_270] : memref<32x4096xf32, #tpu.memory_space<hbm>> -> memref<1x4096xf32, #tpu.memory_space<hbm>>
      %dma_start3A_272 = tpu.memref_squeeze %dma_start3A_271 : memref<1x4096xf32, #tpu.memory_space<hbm>> -> memref<4096xf32, #tpu.memory_space<hbm>>
      tpu.enqueue_dma source(%arg17 : memref<4096xf32, #tpu.memory_space<vmem>>) target(%dma_start3A_272 : memref<4096xf32, #tpu.memory_space<hbm>>) target_semaphore(%run_scoped3A : memref<!tpu.dma_semaphore, #tpu.memory_space<semaphore_mem>>)
      %dma_wait3A_273 = arith.constant 0 : i32
      %dma_wait3A_274 = tpu.memref_slice %arg4[%add3A, %dma_wait3A_273] : memref<32x4096xf32, #tpu.memory_space<hbm>> -> memref<1x4096xf32, #tpu.memory_space<hbm>>
      %dma_wait3A_275 = tpu.memref_squeeze %dma_wait3A_274 : memref<1x4096xf32, #tpu.memory_space<hbm>> -> memref<4096xf32, #tpu.memory_space<hbm>>
      %dma_wait3A_276 = arith.constant 0 : i32
      %dma_wait3A_277 = tpu.memref_slice %arg4[%add3A, %dma_wait3A_276] : memref<32x4096xf32, #tpu.memory_space<hbm>> -> memref<1x4096xf32, #tpu.memory_space<hbm>>
      %dma_wait3A_278 = tpu.memref_squeeze %dma_wait3A_277 : memref<1x4096xf32, #tpu.memory_space<hbm>> -> memref<4096xf32, #tpu.memory_space<hbm>>
      tpu.wait_dma2 semaphore(%run_scoped3A : memref<!tpu.dma_semaphore, #tpu.memory_space<semaphore_mem>>) src(%arg17 : memref<4096xf32, #tpu.memory_space<vmem>>) dst(%dma_wait3A_278 : memref<4096xf32, #tpu.memory_space<hbm>>)
      tpu.yield
    }) : () -> ()
    "tpu.region"() ({
      %run_scoped3A = tpu.sem_alloc : memref<!tpu.dma_semaphore, #tpu.memory_space<semaphore_mem>>
      %dma_start3A_267 = arith.constant 0 : i32
      %dma_start3A_268 = tpu.memref_slice %arg5[%add3A, %dma_start3A_267] : memref<32x4096xf32, #tpu.memory_space<hbm>> -> memref<1x4096xf32, #tpu.memory_space<hbm>>
      %dma_start3A_269 = tpu.memref_squeeze %dma_start3A_268 : memref<1x4096xf32, #tpu.memory_space<hbm>> -> memref<4096xf32, #tpu.memory_space<hbm>>
      %dma_start3A_270 = arith.constant 0 : i32
      %dma_start3A_271 = tpu.memref_slice %arg5[%add3A, %dma_start3A_270] : memref<32x4096xf32, #tpu.memory_space<hbm>> -> memref<1x4096xf32, #tpu.memory_space<hbm>>
      %dma_start3A_272 = tpu.memref_squeeze %dma_start3A_271 : memref<1x4096xf32, #tpu.memory_space<hbm>> -> memref<4096xf32, #tpu.memory_space<hbm>>
      tpu.enqueue_dma source(%arg18 : memref<4096xf32, #tpu.memory_space<vmem>>) target(%dma_start3A_272 : memref<4096xf32, #tpu.memory_space<hbm>>) target_semaphore(%run_scoped3A : memref<!tpu.dma_semaphore, #tpu.memory_space<semaphore_mem>>)
      %dma_wait3A_273 = arith.constant 0 : i32
      %dma_wait3A_274 = tpu.memref_slice %arg5[%add3A, %dma_wait3A_273] : memref<32x4096xf32, #tpu.memory_space<hbm>> -> memref<1x4096xf32, #tpu.memory_space<hbm>>
      %dma_wait3A_275 = tpu.memref_squeeze %dma_wait3A_274 : memref<1x4096xf32, #tpu.memory_space<hbm>> -> memref<4096xf32, #tpu.memory_space<hbm>>
      %dma_wait3A_276 = arith.constant 0 : i32
      %dma_wait3A_277 = tpu.memref_slice %arg5[%add3A, %dma_wait3A_276] : memref<32x4096xf32, #tpu.memory_space<hbm>> -> memref<1x4096xf32, #tpu.memory_space<hbm>>
      %dma_wait3A_278 = tpu.memref_squeeze %dma_wait3A_277 : memref<1x4096xf32, #tpu.memory_space<hbm>> -> memref<4096xf32, #tpu.memory_space<hbm>>
      tpu.wait_dma2 semaphore(%run_scoped3A : memref<!tpu.dma_semaphore, #tpu.memory_space<semaphore_mem>>) src(%arg18 : memref<4096xf32, #tpu.memory_space<vmem>>) dst(%dma_wait3A_278 : memref<4096xf32, #tpu.memory_space<hbm>>)
      tpu.yield
    }) : () -> ()
    "tpu.region"() ({
      %run_scoped3A = tpu.sem_alloc : memref<!tpu.dma_semaphore, #tpu.memory_space<semaphore_mem>>
      %dma_start3A_267 = arith.constant 0 : i32
      %dma_start3A_268 = tpu.memref_slice %arg6[%add3A, %dma_start3A_267] : memref<32x4096xf32, #tpu.memory_space<hbm>> -> memref<1x4096xf32, #tpu.memory_space<hbm>>
      %dma_start3A_269 = tpu.memref_squeeze %dma_start3A_268 : memref<1x4096xf32, #tpu.memory_space<hbm>> -> memref<4096xf32, #tpu.memory_space<hbm>>
      %dma_start3A_270 = arith.constant 0 : i32
      %dma_start3A_271 = tpu.memref_slice %arg6[%add3A, %dma_start3A_270] : memref<32x4096xf32, #tpu.memory_space<hbm>> -> memref<1x4096xf32, #tpu.memory_space<hbm>>
      %dma_start3A_272 = tpu.memref_squeeze %dma_start3A_271 : memref<1x4096xf32, #tpu.memory_space<hbm>> -> memref<4096xf32, #tpu.memory_space<hbm>>
      tpu.enqueue_dma source(%arg19 : memref<4096xf32, #tpu.memory_space<vmem>>) target(%dma_start3A_272 : memref<4096xf32, #tpu.memory_space<hbm>>) target_semaphore(%run_scoped3A : memref<!tpu.dma_semaphore, #tpu.memory_space<semaphore_mem>>)
      %dma_wait3A_273 = arith.constant 0 : i32
      %dma_wait3A_274 = tpu.memref_slice %arg6[%add3A, %dma_wait3A_273] : memref<32x4096xf32, #tpu.memory_space<hbm>> -> memref<1x4096xf32, #tpu.memory_space<hbm>>
      %dma_wait3A_275 = tpu.memref_squeeze %dma_wait3A_274 : memref<1x4096xf32, #tpu.memory_space<hbm>> -> memref<4096xf32, #tpu.memory_space<hbm>>
      %dma_wait3A_276 = arith.constant 0 : i32
      %dma_wait3A_277 = tpu.memref_slice %arg6[%add3A, %dma_wait3A_276] : memref<32x4096xf32, #tpu.memory_space<hbm>> -> memref<1x4096xf32, #tpu.memory_space<hbm>>
      %dma_wait3A_278 = tpu.memref_squeeze %dma_wait3A_277 : memref<1x4096xf32, #tpu.memory_space<hbm>> -> memref<4096xf32, #tpu.memory_space<hbm>>
      tpu.wait_dma2 semaphore(%run_scoped3A : memref<!tpu.dma_semaphore, #tpu.memory_space<semaphore_mem>>) src(%arg19 : memref<4096xf32, #tpu.memory_space<vmem>>) dst(%dma_wait3A_278 : memref<4096xf32, #tpu.memory_space<hbm>>)
      tpu.yield
    }) : () -> ()
    "tpu.region"() ({
      %run_scoped3A = tpu.sem_alloc : memref<!tpu.dma_semaphore, #tpu.memory_space<semaphore_mem>>
      %dma_start3A_267 = arith.constant 0 : i32
      %dma_start3A_268 = tpu.memref_slice %arg7[%add3A, %dma_start3A_267] : memref<32x4096xf32, #tpu.memory_space<hbm>> -> memref<1x4096xf32, #tpu.memory_space<hbm>>
      %dma_start3A_269 = tpu.memref_squeeze %dma_start3A_268 : memref<1x4096xf32, #tpu.memory_space<hbm>> -> memref<4096xf32, #tpu.memory_space<hbm>>
      %dma_start3A_270 = arith.constant 0 : i32
      %dma_start3A_271 = tpu.memref_slice %arg7[%add3A, %dma_start3A_270] : memref<32x4096xf32, #tpu.memory_space<hbm>> -> memref<1x4096xf32, #tpu.memory_space<hbm>>
      %dma_start3A_272 = tpu.memref_squeeze %dma_start3A_271 : memref<1x4096xf32, #tpu.memory_space<hbm>> -> memref<4096xf32, #tpu.memory_space<hbm>>
      tpu.enqueue_dma source(%arg20 : memref<4096xf32, #tpu.memory_space<vmem>>) target(%dma_start3A_272 : memref<4096xf32, #tpu.memory_space<hbm>>) target_semaphore(%run_scoped3A : memref<!tpu.dma_semaphore, #tpu.memory_space<semaphore_mem>>)
      %dma_wait3A_273 = arith.constant 0 : i32
      %dma_wait3A_274 = tpu.memref_slice %arg7[%add3A, %dma_wait3A_273] : memref<32x4096xf32, #tpu.memory_space<hbm>> -> memref<1x4096xf32, #tpu.memory_space<hbm>>
      %dma_wait3A_275 = tpu.memref_squeeze %dma_wait3A_274 : memref<1x4096xf32, #tpu.memory_space<hbm>> -> memref<4096xf32, #tpu.memory_space<hbm>>
      %dma_wait3A_276 = arith.constant 0 : i32
      %dma_wait3A_277 = tpu.memref_slice %arg7[%add3A, %dma_wait3A_276] : memref<32x4096xf32, #tpu.memory_space<hbm>> -> memref<1x4096xf32, #tpu.memory_space<hbm>>
      %dma_wait3A_278 = tpu.memref_squeeze %dma_wait3A_277 : memref<1x4096xf32, #tpu.memory_space<hbm>> -> memref<4096xf32, #tpu.memory_space<hbm>>
      tpu.wait_dma2 semaphore(%run_scoped3A : memref<!tpu.dma_semaphore, #tpu.memory_space<semaphore_mem>>) src(%arg20 : memref<4096xf32, #tpu.memory_space<vmem>>) dst(%dma_wait3A_278 : memref<4096xf32, #tpu.memory_space<hbm>>)
      tpu.yield
    }) : () -> ()
    "tpu.region"() ({
      %run_scoped3A = tpu.sem_alloc : memref<!tpu.dma_semaphore, #tpu.memory_space<semaphore_mem>>
      %dma_start3A_267 = arith.constant 0 : i32
      %dma_start3A_268 = tpu.memref_slice %arg8[%add3A, %dma_start3A_267] : memref<32x4096xf32, #tpu.memory_space<hbm>> -> memref<1x4096xf32, #tpu.memory_space<hbm>>
      %dma_start3A_269 = tpu.memref_squeeze %dma_start3A_268 : memref<1x4096xf32, #tpu.memory_space<hbm>> -> memref<4096xf32, #tpu.memory_space<hbm>>
      %dma_start3A_270 = arith.constant 0 : i32
      %dma_start3A_271 = tpu.memref_slice %arg8[%add3A, %dma_start3A_270] : memref<32x4096xf32, #tpu.memory_space<hbm>> -> memref<1x4096xf32, #tpu.memory_space<hbm>>
      %dma_start3A_272 = tpu.memref_squeeze %dma_start3A_271 : memref<1x4096xf32, #tpu.memory_space<hbm>> -> memref<4096xf32, #tpu.memory_space<hbm>>
      tpu.enqueue_dma source(%arg21 : memref<4096xf32, #tpu.memory_space<vmem>>) target(%dma_start3A_272 : memref<4096xf32, #tpu.memory_space<hbm>>) target_semaphore(%run_scoped3A : memref<!tpu.dma_semaphore, #tpu.memory_space<semaphore_mem>>)
      %dma_wait3A_273 = arith.constant 0 : i32
      %dma_wait3A_274 = tpu.memref_slice %arg8[%add3A, %dma_wait3A_273] : memref<32x4096xf32, #tpu.memory_space<hbm>> -> memref<1x4096xf32, #tpu.memory_space<hbm>>
      %dma_wait3A_275 = tpu.memref_squeeze %dma_wait3A_274 : memref<1x4096xf32, #tpu.memory_space<hbm>> -> memref<4096xf32, #tpu.memory_space<hbm>>
      %dma_wait3A_276 = arith.constant 0 : i32
      %dma_wait3A_277 = tpu.memref_slice %arg8[%add3A, %dma_wait3A_276] : memref<32x4096xf32, #tpu.memory_space<hbm>> -> memref<1x4096xf32, #tpu.memory_space<hbm>>
      %dma_wait3A_278 = tpu.memref_squeeze %dma_wait3A_277 : memref<1x4096xf32, #tpu.memory_space<hbm>> -> memref<4096xf32, #tpu.memory_space<hbm>>
      tpu.wait_dma2 semaphore(%run_scoped3A : memref<!tpu.dma_semaphore, #tpu.memory_space<semaphore_mem>>) src(%arg21 : memref<4096xf32, #tpu.memory_space<vmem>>) dst(%dma_wait3A_278 : memref<4096xf32, #tpu.memory_space<hbm>>)
      tpu.yield
    }) : () -> ()
    return
  }
}

module attributes {stable_mosaic.version = 14 : i64} {
  func.func @_tc1_body(%arg0: i32, %arg1: memref<16384x64xf32, #tpu.memory_space<vmem>>, %arg2: memref<1x1x16384xf32, #tpu.memory_space<vmem>>, %arg3: memref<1x1x16384xf32, #tpu.memory_space<vmem>>, %arg4: memref<1x1x16384xi32, #tpu.memory_space<vmem>>, %arg5: memref<128x64xf32, #tpu.memory_space<vmem>>, %arg6: memref<128x1xf32, #tpu.memory_space<vmem>>, %arg7: memref<8x128xf32, #tpu.memory_space<vmem>>, %arg8: memref<8x1xf32, #tpu.memory_space<vmem>>, %arg9: memref<8x8x2048xf32, #tpu.memory_space<vmem>>, %arg10: memref<1x128xf32, #tpu.memory_space<vmem>>, %arg11: memref<3xf32, #tpu.memory_space<smem>>, %arg12: memref<1xi32, #tpu.memory_space<smem>>) attributes {dimension_semantics = [#tpu.dimension_semantics<arbitrary>], iteration_bounds = array<i64: 32>, scalar_prefetch = 0 : i64, scratch_operands = 2 : i64, tpu.core_type = #tpu.core_type<tc>, window_params = [{transform_indices = @transform_0, window_bounds = array<i64: 16384, 64>}, {transform_indices = @transform_1, window_bounds = array<i64: 1, 1, 16384>}, {transform_indices = @transform_2, window_bounds = array<i64: 1, 1, 16384>}, {transform_indices = @transform_3, window_bounds = array<i64: 1, 1, 16384>}, {pipeline_mode = #tpu.pipeline_mode<synchronous>, transform_indices = @transform_4, window_bounds = array<i64: 128, 64>}, {pipeline_mode = #tpu.pipeline_mode<synchronous>, transform_indices = @transform_5, window_bounds = array<i64: 128, 1>}, {pipeline_mode = #tpu.pipeline_mode<synchronous>, transform_indices = @transform_6, window_bounds = array<i64: 8, 128>}, {pipeline_mode = #tpu.pipeline_mode<synchronous>, transform_indices = @transform_7, window_bounds = array<i64: 8, 1>}, {transform_indices = @transform_8, window_bounds = array<i64: 8, 8, 2048>}, {pipeline_mode = #tpu.pipeline_mode<synchronous>, transform_indices = @transform_9, window_bounds = array<i64: 1, 128>}]} {
    %eq3A = arith.constant 0 : i32
    %eq3A_0 = arith.cmpi eq, %arg0, %eq3A : i32
    %convert_element_type3A = arith.extui %eq3A_0 : i1 to i32
    %cond3A = arith.constant 0 : i32
    %cond3A_1 = arith.cmpi ne, %convert_element_type3A, %cond3A : i32
    scf.if %cond3A_1 {
      %swap3A_198 = arith.constant 0.000000e+00 : f32
      %swap3A_199 = arith.constant 0 : index
      %swap3A_200 = memref.load %arg11[%swap3A_199] : memref<3xf32, #tpu.memory_space<smem>>
      memref.store %swap3A_198, %arg11[%swap3A_199] : memref<3xf32, #tpu.memory_space<smem>>
      %swap3A_201 = arith.constant 0x7F800000 : f32
      %swap3A_202 = arith.constant 1 : index
      %swap3A_203 = memref.load %arg11[%swap3A_202] : memref<3xf32, #tpu.memory_space<smem>>
      memref.store %swap3A_201, %arg11[%swap3A_202] : memref<3xf32, #tpu.memory_space<smem>>
      %swap3A_204 = arith.constant 0xFF800000 : f32
      %swap3A_205 = arith.constant 2 : index
      %swap3A_206 = memref.load %arg11[%swap3A_205] : memref<3xf32, #tpu.memory_space<smem>>
      memref.store %swap3A_204, %arg11[%swap3A_205] : memref<3xf32, #tpu.memory_space<smem>>
      %swap3A_207 = arith.constant -1 : i32
      %swap3A_208 = arith.constant 0 : index
      %swap3A_209 = memref.load %arg12[%swap3A_208] : memref<1xi32, #tpu.memory_space<smem>>
      memref.store %swap3A_207, %arg12[%swap3A_208] : memref<1xi32, #tpu.memory_space<smem>>
    } else {
    }
    %get3A = arith.constant 0 : index
    %get3A_2 = arith.constant 0 : index
    %get3A_3 = vector.load %arg1[%get3A, %get3A_2] : memref<16384x64xf32, #tpu.memory_space<vmem>>, vector<16384x64xf32>
    %transpose3A = tpu.transpose %get3A_3, [1, 0] : vector<16384x64xf32> -> vector<64x16384xf32>
    %get3A_4 = arith.constant 0 : index
    %get3A_5 = arith.constant 0 : index
    %get3A_6 = vector.load %arg5[%get3A_4, %get3A_5] : memref<128x64xf32, #tpu.memory_space<vmem>>, vector<128x64xf32>
    %dot_general3A = arith.constant dense<0.000000e+00> : vector<128x16384xf32>
    %dot_general3A_7 = tpu.matmul %get3A_6, %transpose3A, %dot_general3A {dimension_numbers = #tpu.dot_dimension_numbers<[1], [0], [0], [1], [0, 0, 1, 1], [], []>, transpose_lhs_hint = false} : vector<128x64xf32>, vector<64x16384xf32>, vector<128x16384xf32> -> vector<128x16384xf32>
    %get3A_8 = arith.constant 0 : index
    %get3A_9 = arith.constant 0 : index
    %get3A_10 = vector.load %arg6[%get3A_8, %get3A_9] : memref<128x1xf32, #tpu.memory_space<vmem>>, vector<128x1xf32>
    %add3A = vector.broadcast %get3A_10 : vector<128x1xf32> to vector<128x16384xf32>
    %add3A_11 = arith.addf %dot_general3A_7, %add3A : vector<128x16384xf32>
    %max3A = arith.constant 0.000000e+00 : f32
    %max3A_12 = vector.broadcast %max3A : f32 to vector<128x16384xf32>
    %max3A_13 = arith.maximumf %add3A_11, %max3A_12 : vector<128x16384xf32>
    %get3A_14 = arith.constant 0 : index
    %get3A_15 = arith.constant 0 : index
    %get3A_16 = vector.load %arg7[%get3A_14, %get3A_15] : memref<8x128xf32, #tpu.memory_space<vmem>>, vector<8x128xf32>
    %dot_general3A_17 = arith.constant dense<0.000000e+00> : vector<8x16384xf32>
    %dot_general3A_18 = tpu.matmul %get3A_16, %max3A_13, %dot_general3A_17 {dimension_numbers = #tpu.dot_dimension_numbers<[1], [0], [0], [1], [0, 0, 1, 1], [], []>, transpose_lhs_hint = false} : vector<8x128xf32>, vector<128x16384xf32>, vector<8x16384xf32> -> vector<8x16384xf32>
    %get3A_19 = arith.constant 0 : index
    %get3A_20 = arith.constant 0 : index
    %get3A_21 = vector.load %arg8[%get3A_19, %get3A_20] : memref<8x1xf32, #tpu.memory_space<vmem>>, vector<8x1xf32>
    %add3A_22 = vector.broadcast %get3A_21 : vector<8x1xf32> to vector<8x16384xf32>
    %add3A_23 = arith.addf %dot_general3A_18, %add3A_22 : vector<8x16384xf32>
    %slice3A = vector.extract_strided_slice %add3A_23 {offsets = [0, 0], sizes = [1, 16384], strides = [1, 1]} : vector<8x16384xf32> to vector<1x16384xf32>
    %logistic3A = arith.negf %slice3A : vector<1x16384xf32>
    %logistic3A_24 = math.exp %logistic3A : vector<1x16384xf32>
    %logistic3A_25 = arith.constant 1.000000e+00 : f32
    %logistic3A_26 = vector.broadcast %logistic3A_25 : f32 to vector<1x16384xf32>
    %logistic3A_27 = arith.addf %logistic3A_26, %logistic3A_24 : vector<1x16384xf32>
    %logistic3A_28 = arith.divf %logistic3A_26, %logistic3A_27 : vector<1x16384xf32>
    %slice3A_29 = vector.extract_strided_slice %add3A_23 {offsets = [1, 0], sizes = [1, 16384], strides = [1, 1]} : vector<8x16384xf32> to vector<1x16384xf32>
    %logistic3A_30 = arith.negf %slice3A_29 : vector<1x16384xf32>
    %logistic3A_31 = math.exp %logistic3A_30 : vector<1x16384xf32>
    %logistic3A_32 = arith.constant 1.000000e+00 : f32
    %logistic3A_33 = vector.broadcast %logistic3A_32 : f32 to vector<1x16384xf32>
    %logistic3A_34 = arith.addf %logistic3A_33, %logistic3A_31 : vector<1x16384xf32>
    %logistic3A_35 = arith.divf %logistic3A_33, %logistic3A_34 : vector<1x16384xf32>
    %slice3A_36 = vector.extract_strided_slice %add3A_23 {offsets = [2, 0], sizes = [1, 16384], strides = [1, 1]} : vector<8x16384xf32> to vector<1x16384xf32>
    %logistic3A_37 = arith.negf %slice3A_36 : vector<1x16384xf32>
    %logistic3A_38 = math.exp %logistic3A_37 : vector<1x16384xf32>
    %logistic3A_39 = arith.constant 1.000000e+00 : f32
    %logistic3A_40 = vector.broadcast %logistic3A_39 : f32 to vector<1x16384xf32>
    %logistic3A_41 = arith.addf %logistic3A_40, %logistic3A_38 : vector<1x16384xf32>
    %logistic3A_42 = arith.divf %logistic3A_40, %logistic3A_41 : vector<1x16384xf32>
    %slice3A_43 = vector.extract_strided_slice %add3A_23 {offsets = [3, 0], sizes = [1, 16384], strides = [1, 1]} : vector<8x16384xf32> to vector<1x16384xf32>
    %jit3A = arith.constant -1.500000e+01 : f32
    %jit3A_44 = arith.constant 1.500000e+01 : f32
    %max3A_45 = vector.broadcast %jit3A : f32 to vector<1x16384xf32>
    %max3A_46 = arith.maximumf %max3A_45, %slice3A_43 : vector<1x16384xf32>
    %min3A = vector.broadcast %jit3A_44 : f32 to vector<1x16384xf32>
    %min3A_47 = arith.minimumf %min3A, %max3A_46 : vector<1x16384xf32>
    %exp3A = math.exp %min3A_47 : vector<1x16384xf32>
    %get3A_48 = arith.constant 0 : index
    %get3A_49 = arith.constant 0 : index
    %get3A_50 = arith.constant 0 : index
    %get3A_51 = vector.load %arg3[%get3A_48, %get3A_49, %get3A_50] : memref<1x1x16384xf32, #tpu.memory_space<vmem>>, vector<1x1x16384xf32>
    %reshape3A = vector.shape_cast %get3A_51 : vector<1x1x16384xf32> to vector<1x16384xf32>
    %get3A_52 = arith.constant 0 : index
    %get3A_53 = arith.constant 0 : index
    %get3A_54 = arith.constant 0 : index
    %get3A_55 = vector.load %arg2[%get3A_52, %get3A_53, %get3A_54] : memref<1x1x16384xf32, #tpu.memory_space<vmem>>, vector<1x1x16384xf32>
    %reshape3A_56 = vector.shape_cast %get3A_55 : vector<1x1x16384xf32> to vector<1x16384xf32>
    %mul3A = arith.mulf %exp3A, %reshape3A : vector<1x16384xf32>
    %neg3A = arith.constant 0.000000e+00 : f32
    %neg3A_57 = vector.broadcast %neg3A : f32 to vector<1x16384xf32>
    %neg3A_58 = arith.subf %neg3A_57, %mul3A : vector<1x16384xf32>
    %exp3A_59 = math.exp %neg3A_58 : vector<1x16384xf32>
    %sub3A = arith.constant 1.000000e+00 : f32
    %sub3A_60 = vector.broadcast %sub3A : f32 to vector<1x16384xf32>
    %sub3A_61 = arith.subf %sub3A_60, %exp3A_59 : vector<1x16384xf32>
    %mul3A_62 = arith.constant 5.000000e-01 : f32
    %mul3A_63 = vector.broadcast %mul3A_62 : f32 to vector<1x16384xf32>
    %mul3A_64 = arith.mulf %mul3A_63, %reshape3A : vector<1x16384xf32>
    %add3A_65 = arith.addf %reshape3A_56, %mul3A_64 : vector<1x16384xf32>
    %broadcast_in_dim3A = arith.constant 0.000000e+00 : f32
    %broadcast_in_dim3A_66 = vector.broadcast %broadcast_in_dim3A : f32 to vector<1x1xf32>
    %slice3A_67 = vector.extract_strided_slice %mul3A {offsets = [0, 0], sizes = [1, 16383], strides = [1, 1]} : vector<1x16384xf32> to vector<1x16383xf32>
    %concatenate3A = tpu.concatenate %broadcast_in_dim3A_66, %slice3A_67 in 1 : vector<1x1xf32>, vector<1x16383xf32> -> vector<1x16384xf32>
    %add3A_68 = arith.addf %mul3A, %concatenate3A : vector<1x16384xf32>
    %broadcast_in_dim3A_69 = arith.constant 0.000000e+00 : f32
    %broadcast_in_dim3A_70 = vector.broadcast %broadcast_in_dim3A_69 : f32 to vector<1x2xf32>
    %slice3A_71 = vector.extract_strided_slice %add3A_68 {offsets = [0, 0], sizes = [1, 16382], strides = [1, 1]} : vector<1x16384xf32> to vector<1x16382xf32>
    %concatenate3A_72 = tpu.concatenate %broadcast_in_dim3A_70, %slice3A_71 in 1 : vector<1x2xf32>, vector<1x16382xf32> -> vector<1x16384xf32>
    %add3A_73 = arith.addf %add3A_68, %concatenate3A_72 : vector<1x16384xf32>
    %broadcast_in_dim3A_74 = arith.constant 0.000000e+00 : f32
    %broadcast_in_dim3A_75 = vector.broadcast %broadcast_in_dim3A_74 : f32 to vector<1x4xf32>
    %slice3A_76 = vector.extract_strided_slice %add3A_73 {offsets = [0, 0], sizes = [1, 16380], strides = [1, 1]} : vector<1x16384xf32> to vector<1x16380xf32>
    %concatenate3A_77 = tpu.concatenate %broadcast_in_dim3A_75, %slice3A_76 in 1 : vector<1x4xf32>, vector<1x16380xf32> -> vector<1x16384xf32>
    %add3A_78 = arith.addf %add3A_73, %concatenate3A_77 : vector<1x16384xf32>
    %broadcast_in_dim3A_79 = arith.constant 0.000000e+00 : f32
    %broadcast_in_dim3A_80 = vector.broadcast %broadcast_in_dim3A_79 : f32 to vector<1x8xf32>
    %slice3A_81 = vector.extract_strided_slice %add3A_78 {offsets = [0, 0], sizes = [1, 16376], strides = [1, 1]} : vector<1x16384xf32> to vector<1x16376xf32>
    %concatenate3A_82 = tpu.concatenate %broadcast_in_dim3A_80, %slice3A_81 in 1 : vector<1x8xf32>, vector<1x16376xf32> -> vector<1x16384xf32>
    %add3A_83 = arith.addf %add3A_78, %concatenate3A_82 : vector<1x16384xf32>
    %broadcast_in_dim3A_84 = arith.constant 0.000000e+00 : f32
    %broadcast_in_dim3A_85 = vector.broadcast %broadcast_in_dim3A_84 : f32 to vector<1x16xf32>
    %slice3A_86 = vector.extract_strided_slice %add3A_83 {offsets = [0, 0], sizes = [1, 16368], strides = [1, 1]} : vector<1x16384xf32> to vector<1x16368xf32>
    %concatenate3A_87 = tpu.concatenate %broadcast_in_dim3A_85, %slice3A_86 in 1 : vector<1x16xf32>, vector<1x16368xf32> -> vector<1x16384xf32>
    %add3A_88 = arith.addf %add3A_83, %concatenate3A_87 : vector<1x16384xf32>
    %broadcast_in_dim3A_89 = arith.constant 0.000000e+00 : f32
    %broadcast_in_dim3A_90 = vector.broadcast %broadcast_in_dim3A_89 : f32 to vector<1x32xf32>
    %slice3A_91 = vector.extract_strided_slice %add3A_88 {offsets = [0, 0], sizes = [1, 16352], strides = [1, 1]} : vector<1x16384xf32> to vector<1x16352xf32>
    %concatenate3A_92 = tpu.concatenate %broadcast_in_dim3A_90, %slice3A_91 in 1 : vector<1x32xf32>, vector<1x16352xf32> -> vector<1x16384xf32>
    %add3A_93 = arith.addf %add3A_88, %concatenate3A_92 : vector<1x16384xf32>
    %broadcast_in_dim3A_94 = arith.constant 0.000000e+00 : f32
    %broadcast_in_dim3A_95 = vector.broadcast %broadcast_in_dim3A_94 : f32 to vector<1x64xf32>
    %slice3A_96 = vector.extract_strided_slice %add3A_93 {offsets = [0, 0], sizes = [1, 16320], strides = [1, 1]} : vector<1x16384xf32> to vector<1x16320xf32>
    %concatenate3A_97 = tpu.concatenate %broadcast_in_dim3A_95, %slice3A_96 in 1 : vector<1x64xf32>, vector<1x16320xf32> -> vector<1x16384xf32>
    %add3A_98 = arith.addf %add3A_93, %concatenate3A_97 : vector<1x16384xf32>
    %broadcast_in_dim3A_99 = arith.constant 0.000000e+00 : f32
    %broadcast_in_dim3A_100 = vector.broadcast %broadcast_in_dim3A_99 : f32 to vector<1x128xf32>
    %slice3A_101 = vector.extract_strided_slice %add3A_98 {offsets = [0, 0], sizes = [1, 16256], strides = [1, 1]} : vector<1x16384xf32> to vector<1x16256xf32>
    %concatenate3A_102 = tpu.concatenate %broadcast_in_dim3A_100, %slice3A_101 in 1 : vector<1x128xf32>, vector<1x16256xf32> -> vector<1x16384xf32>
    %add3A_103 = arith.addf %add3A_98, %concatenate3A_102 : vector<1x16384xf32>
    %broadcast_in_dim3A_104 = arith.constant 0.000000e+00 : f32
    %broadcast_in_dim3A_105 = vector.broadcast %broadcast_in_dim3A_104 : f32 to vector<1x256xf32>
    %slice3A_106 = vector.extract_strided_slice %add3A_103 {offsets = [0, 0], sizes = [1, 16128], strides = [1, 1]} : vector<1x16384xf32> to vector<1x16128xf32>
    %concatenate3A_107 = tpu.concatenate %broadcast_in_dim3A_105, %slice3A_106 in 1 : vector<1x256xf32>, vector<1x16128xf32> -> vector<1x16384xf32>
    %add3A_108 = arith.addf %add3A_103, %concatenate3A_107 : vector<1x16384xf32>
    %broadcast_in_dim3A_109 = arith.constant 0.000000e+00 : f32
    %broadcast_in_dim3A_110 = vector.broadcast %broadcast_in_dim3A_109 : f32 to vector<1x512xf32>
    %slice3A_111 = vector.extract_strided_slice %add3A_108 {offsets = [0, 0], sizes = [1, 15872], strides = [1, 1]} : vector<1x16384xf32> to vector<1x15872xf32>
    %concatenate3A_112 = tpu.concatenate %broadcast_in_dim3A_110, %slice3A_111 in 1 : vector<1x512xf32>, vector<1x15872xf32> -> vector<1x16384xf32>
    %add3A_113 = arith.addf %add3A_108, %concatenate3A_112 : vector<1x16384xf32>
    %broadcast_in_dim3A_114 = arith.constant 0.000000e+00 : f32
    %broadcast_in_dim3A_115 = vector.broadcast %broadcast_in_dim3A_114 : f32 to vector<1x1024xf32>
    %slice3A_116 = vector.extract_strided_slice %add3A_113 {offsets = [0, 0], sizes = [1, 15360], strides = [1, 1]} : vector<1x16384xf32> to vector<1x15360xf32>
    %concatenate3A_117 = tpu.concatenate %broadcast_in_dim3A_115, %slice3A_116 in 1 : vector<1x1024xf32>, vector<1x15360xf32> -> vector<1x16384xf32>
    %add3A_118 = arith.addf %add3A_113, %concatenate3A_117 : vector<1x16384xf32>
    %broadcast_in_dim3A_119 = arith.constant 0.000000e+00 : f32
    %broadcast_in_dim3A_120 = vector.broadcast %broadcast_in_dim3A_119 : f32 to vector<1x2048xf32>
    %slice3A_121 = vector.extract_strided_slice %add3A_118 {offsets = [0, 0], sizes = [1, 14336], strides = [1, 1]} : vector<1x16384xf32> to vector<1x14336xf32>
    %concatenate3A_122 = tpu.concatenate %broadcast_in_dim3A_120, %slice3A_121 in 1 : vector<1x2048xf32>, vector<1x14336xf32> -> vector<1x16384xf32>
    %add3A_123 = arith.addf %add3A_118, %concatenate3A_122 : vector<1x16384xf32>
    %broadcast_in_dim3A_124 = arith.constant 0.000000e+00 : f32
    %broadcast_in_dim3A_125 = vector.broadcast %broadcast_in_dim3A_124 : f32 to vector<1x4096xf32>
    %slice3A_126 = vector.extract_strided_slice %add3A_123 {offsets = [0, 0], sizes = [1, 12288], strides = [1, 1]} : vector<1x16384xf32> to vector<1x12288xf32>
    %concatenate3A_127 = tpu.concatenate %broadcast_in_dim3A_125, %slice3A_126 in 1 : vector<1x4096xf32>, vector<1x12288xf32> -> vector<1x16384xf32>
    %add3A_128 = arith.addf %add3A_123, %concatenate3A_127 : vector<1x16384xf32>
    %broadcast_in_dim3A_129 = arith.constant 0.000000e+00 : f32
    %broadcast_in_dim3A_130 = vector.broadcast %broadcast_in_dim3A_129 : f32 to vector<1x8192xf32>
    %slice3A_131 = vector.extract_strided_slice %add3A_128 {offsets = [0, 0], sizes = [1, 8192], strides = [1, 1]} : vector<1x16384xf32> to vector<1x8192xf32>
    %concatenate3A_132 = tpu.concatenate %broadcast_in_dim3A_130, %slice3A_131 in 1 : vector<1x8192xf32>, vector<1x8192xf32> -> vector<1x16384xf32>
    %add3A_133 = arith.addf %add3A_128, %concatenate3A_132 : vector<1x16384xf32>
    %get3A_134 = arith.constant 0 : index
    %get3A_135 = memref.load %arg11[%get3A_134] : memref<3xf32, #tpu.memory_space<smem>>
    %sub3A_136 = arith.subf %add3A_133, %mul3A : vector<1x16384xf32>
    %add3A_137 = vector.broadcast %get3A_135 : f32 to vector<1x16384xf32>
    %add3A_138 = arith.addf %sub3A_136, %add3A_137 : vector<1x16384xf32>
    %reduce_max3A = vector.shape_cast %add3A_133 : vector<1x16384xf32> to vector<1x1x16384xf32>
    %reduce_max3A_139 = arith.constant dense<0xFF800000> : vector<1xf32>
    %reduce_max3A_140 = vector.multi_reduction <maximumf>, %reduce_max3A, %reduce_max3A_139 [1, 2] : vector<1x1x16384xf32> to vector<1xf32>
    %reduce_max3A_141 = vector.shape_cast %reduce_max3A_140 : vector<1xf32> to vector<1x1x1xf32>
    %reduce_max3A_142 = vector.extract %reduce_max3A_141[0, 0, 0] : f32 from vector<1x1x1xf32>
    %add3A_143 = arith.addf %get3A_135, %reduce_max3A_142 : f32
    %swap3A = arith.constant 0 : index
    %swap3A_144 = memref.load %arg11[%swap3A] : memref<3xf32, #tpu.memory_space<smem>>
    memref.store %add3A_143, %arg11[%swap3A] : memref<3xf32, #tpu.memory_space<smem>>
    %get3A_145 = arith.constant 0 : index
    %get3A_146 = arith.constant 0 : index
    %get3A_147 = arith.constant 0 : index
    %get3A_148 = vector.load %arg4[%get3A_145, %get3A_146, %get3A_147] : memref<1x1x16384xi32, #tpu.memory_space<vmem>>, vector<1x1x16384xi32>
    %reshape3A_149 = vector.shape_cast %get3A_148 : vector<1x1x16384xi32> to vector<1x16384xi32>
    %get3A_150 = arith.constant 0 : index
    %get3A_151 = memref.load %arg12[%get3A_150] : memref<1xi32, #tpu.memory_space<smem>>
    %broadcast_in_dim3A_152 = vector.broadcast %get3A_151 : i32 to vector<1x1xi32>
    %slice3A_153 = vector.extract_strided_slice %reshape3A_149 {offsets = [0, 0], sizes = [1, 16383], strides = [1, 1]} : vector<1x16384xi32> to vector<1x16383xi32>
    %concatenate3A_154 = tpu.concatenate %broadcast_in_dim3A_152, %slice3A_153 in 1 : vector<1x1xi32>, vector<1x16383xi32> -> vector<1x16384xi32>
    %ne3A = arith.cmpi ne, %reshape3A_149, %concatenate3A_154 : vector<1x16384xi32>
    %jit3A_155 = arith.constant -1.000000e+00 : f32
    %broadcast_in_dim3A_156 = vector.broadcast %jit3A_155 : f32 to vector<1x16384xf32>
    %select_n3A = arith.select %ne3A, %add3A_138, %broadcast_in_dim3A_156 : vector<1x16384xi1>, vector<1x16384xf32>
    %reduce_max3A_157 = vector.shape_cast %reshape3A_149 : vector<1x16384xi32> to vector<1x1x16384xi32>
    %reduce_max3A_158 = arith.constant dense<-2147483648> : vector<1xi32>
    %reduce_max3A_159 = vector.multi_reduction <maxsi>, %reduce_max3A_157, %reduce_max3A_158 [1, 2] : vector<1x1x16384xi32> to vector<1xi32>
    %reduce_max3A_160 = vector.shape_cast %reduce_max3A_159 : vector<1xi32> to vector<1x1x1xi32>
    %reduce_max3A_161 = vector.extract %reduce_max3A_160[0, 0, 0] : i32 from vector<1x1x1xi32>
    %swap3A_162 = arith.constant 0 : index
    %swap3A_163 = memref.load %arg12[%swap3A_162] : memref<1xi32, #tpu.memory_space<smem>>
    memref.store %reduce_max3A_161, %arg12[%swap3A_162] : memref<1xi32, #tpu.memory_space<smem>>
    %get3A_164 = arith.constant 1 : index
    %get3A_165 = memref.load %arg11[%get3A_164] : memref<3xf32, #tpu.memory_space<smem>>
    %reduce_min3A = vector.shape_cast %add3A_65 : vector<1x16384xf32> to vector<1x1x16384xf32>
    %reduce_min3A_166 = arith.constant dense<0x7F800000> : vector<1xf32>
    %reduce_min3A_167 = vector.multi_reduction <minimumf>, %reduce_min3A, %reduce_min3A_166 [1, 2] : vector<1x1x16384xf32> to vector<1xf32>
    %reduce_min3A_168 = vector.shape_cast %reduce_min3A_167 : vector<1xf32> to vector<1x1x1xf32>
    %reduce_min3A_169 = vector.extract %reduce_min3A_168[0, 0, 0] : f32 from vector<1x1x1xf32>
    %min3A_170 = arith.minimumf %get3A_165, %reduce_min3A_169 : f32
    %get3A_171 = arith.constant 2 : index
    %get3A_172 = memref.load %arg11[%get3A_171] : memref<3xf32, #tpu.memory_space<smem>>
    %reduce_max3A_173 = vector.shape_cast %add3A_65 : vector<1x16384xf32> to vector<1x1x16384xf32>
    %reduce_max3A_174 = arith.constant dense<0xFF800000> : vector<1xf32>
    %reduce_max3A_175 = vector.multi_reduction <maximumf>, %reduce_max3A_173, %reduce_max3A_174 [1, 2] : vector<1x1x16384xf32> to vector<1xf32>
    %reduce_max3A_176 = vector.shape_cast %reduce_max3A_175 : vector<1xf32> to vector<1x1x1xf32>
    %reduce_max3A_177 = vector.extract %reduce_max3A_176[0, 0, 0] : f32 from vector<1x1x1xf32>
    %max3A_178 = arith.maximumf %get3A_172, %reduce_max3A_177 : f32
    %swap3A_179 = arith.constant 1 : index
    %swap3A_180 = memref.load %arg11[%swap3A_179] : memref<3xf32, #tpu.memory_space<smem>>
    memref.store %min3A_170, %arg11[%swap3A_179] : memref<3xf32, #tpu.memory_space<smem>>
    %swap3A_181 = arith.constant 2 : index
    %swap3A_182 = memref.load %arg11[%swap3A_181] : memref<3xf32, #tpu.memory_space<smem>>
    memref.store %max3A_178, %arg11[%swap3A_181] : memref<3xf32, #tpu.memory_space<smem>>
    %iota3A = tpu.iota {dimensions = array<i32: 1>} : vector<1x128xi32>
    %eq3A_183 = arith.constant 0 : i32
    %eq3A_184 = vector.broadcast %eq3A_183 : i32 to vector<1x128xi32>
    %eq3A_185 = arith.cmpi eq, %iota3A, %eq3A_184 : vector<1x128xi32>
    %broadcast_in_dim3A_186 = vector.broadcast %min3A_170 : f32 to vector<1x128xf32>
    %broadcast_in_dim3A_187 = vector.broadcast %max3A_178 : f32 to vector<1x128xf32>
    %select_n3A_188 = arith.select %eq3A_185, %broadcast_in_dim3A_186, %broadcast_in_dim3A_187 : vector<1x128xi1>, vector<1x128xf32>
    %swap3A_189 = arith.constant 0 : index
    %swap3A_190 = arith.constant 0 : index
    %swap3A_191 = vector.load %arg10[%swap3A_189, %swap3A_190] : memref<1x128xf32, #tpu.memory_space<vmem>>, vector<1x128xf32>
    tpu.vector_store %arg10[%swap3A_189, %swap3A_190], %select_n3A_188 {strides = array<i32>} : memref<1x128xf32, #tpu.memory_space<vmem>>, vector<1x128xf32>,
    %concatenate3A_192 = tpu.concatenate %add3A_138, %select_n3A, %sub3A_61, %logistic3A_28, %logistic3A_35, %logistic3A_42, %add3A_65, %add3A_65 in 0 : vector<1x16384xf32>, vector<1x16384xf32>, vector<1x16384xf32>, vector<1x16384xf32>, vector<1x16384xf32>, vector<1x16384xf32>, vector<1x16384xf32>, vector<1x16384xf32> -> vector<8x16384xf32>
    %reshape3A_193 = vector.shape_cast %concatenate3A_192 : vector<8x16384xf32> to vector<8x8x2048xf32>
    %swap3A_194 = arith.constant 0 : index
    %swap3A_195 = arith.constant 0 : index
    %swap3A_196 = arith.constant 0 : index
    %swap3A_197 = vector.load %arg9[%swap3A_194, %swap3A_195, %swap3A_196] : memref<8x8x2048xf32, #tpu.memory_space<vmem>>, vector<8x8x2048xf32>
    tpu.vector_store %arg9[%swap3A_194, %swap3A_195, %swap3A_196], %reshape3A_193 {strides = array<i32>} : memref<8x8x2048xf32, #tpu.memory_space<vmem>>, vector<8x8x2048xf32>,
    return
  }
  func.func @transform_0(%arg0: i32) -> (i32, i32) {
    %c0_i32 = arith.constant 0 : i32
    %c0_i32_0 = arith.constant 0 : i32
    return %arg0, %c0_i32 : i32, i32
  }
  func.func @transform_1(%arg0: i32) -> (i32, i32, i32) {
    %c0_i32 = arith.constant 0 : i32
    %c0_i32_0 = arith.constant 0 : i32
    %c0_i32_1 = arith.constant 0 : i32
    return %arg0, %c0_i32, %c0_i32_0 : i32, i32, i32
  }
  func.func @transform_2(%arg0: i32) -> (i32, i32, i32) {
    %c0_i32 = arith.constant 0 : i32
    %c0_i32_0 = arith.constant 0 : i32
    %c0_i32_1 = arith.constant 0 : i32
    return %arg0, %c0_i32, %c0_i32_0 : i32, i32, i32
  }
  func.func @transform_3(%arg0: i32) -> (i32, i32, i32) {
    %c0_i32 = arith.constant 0 : i32
    %c0_i32_0 = arith.constant 0 : i32
    %c0_i32_1 = arith.constant 0 : i32
    return %arg0, %c0_i32, %c0_i32_0 : i32, i32, i32
  }
  func.func @transform_4(%arg0: i32) -> (i32, i32) {
    %c0_i32 = arith.constant 0 : i32
    %c0_i32_0 = arith.constant 0 : i32
    %c0_i32_1 = arith.constant 0 : i32
    return %c0_i32, %c0_i32_0 : i32, i32
  }
  func.func @transform_5(%arg0: i32) -> (i32, i32) {
    %c0_i32 = arith.constant 0 : i32
    %c0_i32_0 = arith.constant 0 : i32
    %c0_i32_1 = arith.constant 0 : i32
    return %c0_i32, %c0_i32_0 : i32, i32
  }
  func.func @transform_6(%arg0: i32) -> (i32, i32) {
    %c0_i32 = arith.constant 0 : i32
    %c0_i32_0 = arith.constant 0 : i32
    %c0_i32_1 = arith.constant 0 : i32
    return %c0_i32, %c0_i32_0 : i32, i32
  }
  func.func @transform_7(%arg0: i32) -> (i32, i32) {
    %c0_i32 = arith.constant 0 : i32
    %c0_i32_0 = arith.constant 0 : i32
    %c0_i32_1 = arith.constant 0 : i32
    return %c0_i32, %c0_i32_0 : i32, i32
  }
  func.func @transform_8(%arg0: i32) -> (i32, i32, i32) {
    %c0_i32 = arith.constant 0 : i32
    %c0_i32_0 = arith.constant 0 : i32
    %c0_i32_1 = arith.constant 0 : i32
    return %c0_i32, %arg0, %c0_i32_0 : i32, i32, i32
  }
  func.func @transform_9(%arg0: i32) -> (i32, i32) {
    %c0_i32 = arith.constant 0 : i32
    %c0_i32_0 = arith.constant 0 : i32
    %c0_i32_1 = arith.constant 0 : i32
    return %c0_i32, %c0_i32_0 : i32, i32
  }
}

module attributes {stable_mosaic.version = 14 : i64} {
  func.func @_fin_body(%arg0: memref<32x4096xf32, #tpu.memory_space<vmem>>, %arg1: memref<32x4096xf32, #tpu.memory_space<vmem>>, %arg2: memref<32x4096xf32, #tpu.memory_space<vmem>>, %arg3: memref<32x4096xf32, #tpu.memory_space<vmem>>, %arg4: memref<32x4096xf32, #tpu.memory_space<vmem>>, %arg5: memref<4096x128xf32, #tpu.memory_space<vmem>>, %arg6: memref<4096x128xf32, #tpu.memory_space<vmem>>, %arg7: memref<32x1xi32, #tpu.memory_space<vmem>>, %arg8: memref<3x4096xf32, #tpu.memory_space<vmem>>, %arg9: memref<1x128xf32, #tpu.memory_space<vmem>>, %arg10: memref<3x4096xf32, #tpu.memory_space<vmem>>, %arg11: memref<1x4096xf32, #tpu.memory_space<vmem>>, %arg12: memref<1x4096xf32, #tpu.memory_space<vmem>>) attributes {dimension_semantics = [], scalar_prefetch = 0 : i64, scratch_operands = 0 : i64, tpu.core_type = #tpu.core_type<tc>} {
    %get3A = arith.constant 0 : index
    %get3A_0 = arith.constant 0 : index
    %get3A_1 = vector.load %arg5[%get3A, %get3A_0] : memref<4096x128xf32, #tpu.memory_space<vmem>>, vector<4096x128xf32>
    %reshape3A = vector.shape_cast %get3A_1 : vector<4096x128xf32> to vector<32x128x128xf32>
    %get3A_2 = arith.constant 0 : index
    %get3A_3 = arith.constant 0 : index
    %get3A_4 = vector.load %arg6[%get3A_2, %get3A_3] : memref<4096x128xf32, #tpu.memory_space<vmem>>, vector<4096x128xf32>
    %reshape3A_5 = vector.shape_cast %get3A_4 : vector<4096x128xf32> to vector<32x128x128xf32>
    %reduce_max3A = arith.constant dense<0xFF800000> : vector<32x128xf32>
    %reduce_max3A_6 = vector.multi_reduction <maximumf>, %reshape3A, %reduce_max3A [2] : vector<32x128x128xf32> to vector<32x128xf32>
    %reduce_max3A_7 = arith.constant dense<0xFF800000> : vector<32xf32>
    %reduce_max3A_8 = vector.multi_reduction <maximumf>, %reduce_max3A_6, %reduce_max3A_7 [1] : vector<32x128xf32> to vector<32xf32>
    %broadcast_in_dim3A = vector.shape_cast %reduce_max3A_8 : vector<32xf32> to vector<32x1xf32>
    %iota3A = tpu.iota {dimensions = array<i32: 2>} : vector<32x1x128xi32>
    %slice3A = vector.extract_strided_slice %reshape3A_5 {offsets = [0, 0, 0], sizes = [32, 1, 128], strides = [1, 1, 1]} : vector<32x128x128xf32> to vector<32x1x128xf32>
    %eq3A = arith.constant 0 : i32
    %eq3A_9 = vector.broadcast %eq3A : i32 to vector<32x1x128xi32>
    %eq3A_10 = arith.cmpi eq, %iota3A, %eq3A_9 : vector<32x1x128xi32>
    %jit3A = arith.constant 0.000000e+00 : f32
    %broadcast_in_dim3A_11 = vector.broadcast %jit3A : f32 to vector<32x1x128xf32>
    %select_n3A = arith.select %eq3A_10, %slice3A, %broadcast_in_dim3A_11 : vector<32x1x128xi1>, vector<32x1x128xf32>
    %reduce_sum3A = arith.constant dense<0.000000e+00> : vector<32x1xf32>
    %reduce_sum3A_12 = vector.multi_reduction <add>, %select_n3A, %reduce_sum3A [2] : vector<32x1x128xf32> to vector<32x1xf32>
    %slice3A_13 = vector.extract_strided_slice %reshape3A {offsets = [0, 0, 0], sizes = [32, 1, 128], strides = [1, 1, 1]} : vector<32x128x128xf32> to vector<32x1x128xf32>
    %eq3A_14 = arith.constant 0 : i32
    %eq3A_15 = vector.broadcast %eq3A_14 : i32 to vector<32x1x128xi32>
    %eq3A_16 = arith.cmpi eq, %iota3A, %eq3A_15 : vector<32x1x128xi32>
    %jit3A_17 = arith.constant 0.000000e+00 : f32
    %broadcast_in_dim3A_18 = vector.broadcast %jit3A_17 : f32 to vector<32x1x128xf32>
    %select_n3A_19 = arith.select %eq3A_16, %slice3A_13, %broadcast_in_dim3A_18 : vector<32x1x128xi1>, vector<32x1x128xf32>
    %reduce_sum3A_20 = arith.constant dense<0.000000e+00> : vector<32x1xf32>
    %reduce_sum3A_21 = vector.multi_reduction <add>, %select_n3A_19, %reduce_sum3A_20 [2] : vector<32x1x128xf32> to vector<32x1xf32>
    %broadcast_in_dim3A_22 = arith.constant 0.000000e+00 : f32
    %broadcast_in_dim3A_23 = vector.broadcast %broadcast_in_dim3A_22 : f32 to vector<1x1xf32>
    %slice3A_24 = vector.extract_strided_slice %broadcast_in_dim3A {offsets = [0, 0], sizes = [31, 1], strides = [1, 1]} : vector<32x1xf32> to vector<31x1xf32>
    %concatenate3A = tpu.concatenate %broadcast_in_dim3A_23, %slice3A_24 in 0 : vector<1x1xf32>, vector<31x1xf32> -> vector<32x1xf32>
    %broadcast_in_dim3A_25 = arith.constant -1.000000e+00 : f32
    %broadcast_in_dim3A_26 = vector.broadcast %broadcast_in_dim3A_25 : f32 to vector<1x1xf32>
    %slice3A_27 = vector.extract_strided_slice %concatenate3A {offsets = [0, 0], sizes = [31, 1], strides = [1, 1]} : vector<32x1xf32> to vector<31x1xf32>
    %concatenate3A_28 = tpu.concatenate %broadcast_in_dim3A_26, %slice3A_27 in 0 : vector<1x1xf32>, vector<31x1xf32> -> vector<32x1xf32>
    %max3A = arith.maximumf %concatenate3A, %concatenate3A_28 : vector<32x1xf32>
    %broadcast_in_dim3A_29 = arith.constant -1.000000e+00 : f32
    %broadcast_in_dim3A_30 = vector.broadcast %broadcast_in_dim3A_29 : f32 to vector<2x1xf32>
    %slice3A_31 = vector.extract_strided_slice %max3A {offsets = [0, 0], sizes = [30, 1], strides = [1, 1]} : vector<32x1xf32> to vector<30x1xf32>
    %concatenate3A_32 = tpu.concatenate %broadcast_in_dim3A_30, %slice3A_31 in 0 : vector<2x1xf32>, vector<30x1xf32> -> vector<32x1xf32>
    %max3A_33 = arith.maximumf %max3A, %concatenate3A_32 : vector<32x1xf32>
    %broadcast_in_dim3A_34 = arith.constant -1.000000e+00 : f32
    %broadcast_in_dim3A_35 = vector.broadcast %broadcast_in_dim3A_34 : f32 to vector<4x1xf32>
    %slice3A_36 = vector.extract_strided_slice %max3A_33 {offsets = [0, 0], sizes = [28, 1], strides = [1, 1]} : vector<32x1xf32> to vector<28x1xf32>
    %concatenate3A_37 = tpu.concatenate %broadcast_in_dim3A_35, %slice3A_36 in 0 : vector<4x1xf32>, vector<28x1xf32> -> vector<32x1xf32>
    %max3A_38 = arith.maximumf %max3A_33, %concatenate3A_37 : vector<32x1xf32>
    %broadcast_in_dim3A_39 = arith.constant -1.000000e+00 : f32
    %broadcast_in_dim3A_40 = vector.broadcast %broadcast_in_dim3A_39 : f32 to vector<8x1xf32>
    %slice3A_41 = vector.extract_strided_slice %max3A_38 {offsets = [0, 0], sizes = [24, 1], strides = [1, 1]} : vector<32x1xf32> to vector<24x1xf32>
    %concatenate3A_42 = tpu.concatenate %broadcast_in_dim3A_40, %slice3A_41 in 0 : vector<8x1xf32>, vector<24x1xf32> -> vector<32x1xf32>
    %max3A_43 = arith.maximumf %max3A_38, %concatenate3A_42 : vector<32x1xf32>
    %broadcast_in_dim3A_44 = arith.constant -1.000000e+00 : f32
    %broadcast_in_dim3A_45 = vector.broadcast %broadcast_in_dim3A_44 : f32 to vector<16x1xf32>
    %slice3A_46 = vector.extract_strided_slice %max3A_43 {offsets = [0, 0], sizes = [16, 1], strides = [1, 1]} : vector<32x1xf32> to vector<16x1xf32>
    %concatenate3A_47 = tpu.concatenate %broadcast_in_dim3A_45, %slice3A_46 in 0 : vector<16x1xf32>, vector<16x1xf32> -> vector<32x1xf32>
    %max3A_48 = arith.maximumf %max3A_43, %concatenate3A_47 : vector<32x1xf32>
    %ge3A = arith.constant 0.000000e+00 : f32
    %ge3A_49 = vector.broadcast %ge3A : f32 to vector<32x1xf32>
    %ge3A_50 = arith.cmpf oge, %reduce_sum3A_21, %ge3A_49 : vector<32x1xf32>
    %sub3A = arith.subf %reduce_sum3A_12, %max3A_48 : vector<32x1xf32>
    %neg3A = arith.constant 0.000000e+00 : f32
    %neg3A_51 = vector.broadcast %neg3A : f32 to vector<32x1xf32>
    %neg3A_52 = arith.subf %neg3A_51, %sub3A : vector<32x1xf32>
    %exp3A = math.exp %neg3A_52 : vector<32x1xf32>
    %jit3A_53 = arith.constant 1.000000e+00 : f32
    %broadcast_in_dim3A_54 = vector.broadcast %jit3A_53 : f32 to vector<32x1xf32>
    %select_n3A_55 = arith.select %ge3A_50, %broadcast_in_dim3A_54, %exp3A : vector<32x1xi1>, vector<32x1xf32>
    %get3A_56 = arith.constant 0 : index
    %get3A_57 = arith.constant 0 : index
    %get3A_58 = vector.load %arg7[%get3A_56, %get3A_57] : memref<32x1xi32, #tpu.memory_space<vmem>>, vector<32x1xi32>
    %iota3A_59 = tpu.iota {dimensions = array<i32: 1>} : vector<32x4096xi32>
    %eq3A_60 = vector.broadcast %get3A_58 : vector<32x1xi32> to vector<32x4096xi32>
    %eq3A_61 = arith.cmpi eq, %iota3A_59, %eq3A_60 : vector<32x4096xi32>
    %jit3A_62 = arith.constant 1.000000e+00 : f32
    %broadcast_in_dim3A_63 = vector.shape_cast %select_n3A_55 : vector<32x1xf32> to vector<32x1xf32>
    %broadcast_in_dim3A_64 = vector.broadcast %broadcast_in_dim3A_63 : vector<32x1xf32> to vector<32x4096xf32>
    %broadcast_in_dim3A_65 = vector.broadcast %jit3A_62 : f32 to vector<32x4096xf32>
    %select_n3A_66 = arith.select %eq3A_61, %broadcast_in_dim3A_64, %broadcast_in_dim3A_65 : vector<32x4096xi1>, vector<32x4096xf32>
    %get3A_67 = arith.constant 0 : index
    %get3A_68 = arith.constant 0 : index
    %get3A_69 = vector.load %arg3[%get3A_67, %get3A_68] : memref<32x4096xf32, #tpu.memory_space<vmem>>, vector<32x4096xf32>
    %mul3A = arith.mulf %get3A_69, %select_n3A_66 : vector<32x4096xf32>
    %reduce_sum3A_70 = arith.constant dense<0.000000e+00> : vector<4096xf32>
    %reduce_sum3A_71 = vector.multi_reduction <add>, %mul3A, %reduce_sum3A_70 [0] : vector<32x4096xf32> to vector<4096xf32>
    %broadcast_in_dim3A_72 = vector.shape_cast %reduce_sum3A_71 : vector<4096xf32> to vector<1x4096xf32>
    %get3A_73 = arith.constant 0 : index
    %get3A_74 = arith.constant 0 : index
    %get3A_75 = vector.load %arg0[%get3A_73, %get3A_74] : memref<32x4096xf32, #tpu.memory_space<vmem>>, vector<32x4096xf32>
    %mul3A_76 = arith.mulf %get3A_75, %select_n3A_66 : vector<32x4096xf32>
    %reduce_sum3A_77 = arith.constant dense<0.000000e+00> : vector<4096xf32>
    %reduce_sum3A_78 = vector.multi_reduction <add>, %mul3A_76, %reduce_sum3A_77 [0] : vector<32x4096xf32> to vector<4096xf32>
    %broadcast_in_dim3A_79 = vector.shape_cast %reduce_sum3A_78 : vector<4096xf32> to vector<1x4096xf32>
    %get3A_80 = arith.constant 0 : index
    %get3A_81 = arith.constant 0 : index
    %get3A_82 = vector.load %arg1[%get3A_80, %get3A_81] : memref<32x4096xf32, #tpu.memory_space<vmem>>, vector<32x4096xf32>
    %mul3A_83 = arith.mulf %get3A_82, %select_n3A_66 : vector<32x4096xf32>
    %reduce_sum3A_84 = arith.constant dense<0.000000e+00> : vector<4096xf32>
    %reduce_sum3A_85 = vector.multi_reduction <add>, %mul3A_83, %reduce_sum3A_84 [0] : vector<32x4096xf32> to vector<4096xf32>
    %broadcast_in_dim3A_86 = vector.shape_cast %reduce_sum3A_85 : vector<4096xf32> to vector<1x4096xf32>
    %get3A_87 = arith.constant 0 : index
    %get3A_88 = arith.constant 0 : index
    %get3A_89 = vector.load %arg2[%get3A_87, %get3A_88] : memref<32x4096xf32, #tpu.memory_space<vmem>>, vector<32x4096xf32>
    %mul3A_90 = arith.mulf %get3A_89, %select_n3A_66 : vector<32x4096xf32>
    %reduce_sum3A_91 = arith.constant dense<0.000000e+00> : vector<4096xf32>
    %reduce_sum3A_92 = vector.multi_reduction <add>, %mul3A_90, %reduce_sum3A_91 [0] : vector<32x4096xf32> to vector<4096xf32>
    %broadcast_in_dim3A_93 = vector.shape_cast %reduce_sum3A_92 : vector<4096xf32> to vector<1x4096xf32>
    %get3A_94 = arith.constant 0 : index
    %get3A_95 = arith.constant 0 : index
    %get3A_96 = vector.load %arg4[%get3A_94, %get3A_95] : memref<32x4096xf32, #tpu.memory_space<vmem>>, vector<32x4096xf32>
    %mul3A_97 = arith.mulf %get3A_96, %select_n3A_66 : vector<32x4096xf32>
    %reduce_sum3A_98 = arith.constant dense<0.000000e+00> : vector<4096xf32>
    %reduce_sum3A_99 = vector.multi_reduction <add>, %mul3A_97, %reduce_sum3A_98 [0] : vector<32x4096xf32> to vector<4096xf32>
    %broadcast_in_dim3A_100 = vector.shape_cast %reduce_sum3A_99 : vector<4096xf32> to vector<1x4096xf32>
    %sub3A_101 = arith.constant 1.000000e+00 : f32
    %sub3A_102 = vector.broadcast %sub3A_101 : f32 to vector<1x4096xf32>
    %sub3A_103 = arith.subf %sub3A_102, %broadcast_in_dim3A_72 : vector<1x4096xf32>
    %get3A_104 = arith.constant 0 : index
    %get3A_105 = arith.constant 0 : index
    %get3A_106 = vector.load %arg8[%get3A_104, %get3A_105] : memref<3x4096xf32, #tpu.memory_space<vmem>>, vector<3x4096xf32>
    %slice3A_107 = vector.extract_strided_slice %get3A_106 {offsets = [0, 0], sizes = [1, 4096], strides = [1, 1]} : vector<3x4096xf32> to vector<1x4096xf32>
    %mul3A_108 = arith.mulf %sub3A_103, %slice3A_107 : vector<1x4096xf32>
    %add3A = arith.addf %broadcast_in_dim3A_79, %mul3A_108 : vector<1x4096xf32>
    %slice3A_109 = vector.extract_strided_slice %get3A_106 {offsets = [1, 0], sizes = [1, 4096], strides = [1, 1]} : vector<3x4096xf32> to vector<1x4096xf32>
    %mul3A_110 = arith.mulf %sub3A_103, %slice3A_109 : vector<1x4096xf32>
    %add3A_111 = arith.addf %broadcast_in_dim3A_86, %mul3A_110 : vector<1x4096xf32>
    %slice3A_112 = vector.extract_strided_slice %get3A_106 {offsets = [2, 0], sizes = [1, 4096], strides = [1, 1]} : vector<3x4096xf32> to vector<1x4096xf32>
    %mul3A_113 = arith.mulf %sub3A_103, %slice3A_112 : vector<1x4096xf32>
    %add3A_114 = arith.addf %broadcast_in_dim3A_93, %mul3A_113 : vector<1x4096xf32>
    %concatenate3A_115 = tpu.concatenate %add3A, %add3A_111, %add3A_114 in 0 : vector<1x4096xf32>, vector<1x4096xf32>, vector<1x4096xf32> -> vector<3x4096xf32>
    %swap3A = arith.constant 0 : index
    %swap3A_116 = arith.constant 0 : index
    %swap3A_117 = vector.load %arg10[%swap3A, %swap3A_116] : memref<3x4096xf32, #tpu.memory_space<vmem>>, vector<3x4096xf32>
    tpu.vector_store %arg10[%swap3A, %swap3A_116], %concatenate3A_115 {strides = array<i32>} : memref<3x4096xf32, #tpu.memory_space<vmem>>, vector<3x4096xf32>,
    %get3A_118 = arith.constant 0 : index
    %get3A_119 = arith.constant 0 : index
    %get3A_120 = vector.load %arg9[%get3A_118, %get3A_119] : memref<1x128xf32, #tpu.memory_space<vmem>>, vector<1x1xf32>
    %get3A_121 = arith.constant 0 : index
    %get3A_122 = arith.constant 1 : index
    %get3A_123 = vector.load %arg9[%get3A_121, %get3A_122] : memref<1x128xf32, #tpu.memory_space<vmem>>, vector<1x1xf32>
    %add3A_124 = arith.constant 1.000000e-10 : f32
    %add3A_125 = vector.broadcast %add3A_124 : f32 to vector<1x4096xf32>
    %add3A_126 = arith.addf %broadcast_in_dim3A_72, %add3A_125 : vector<1x4096xf32>
    %div3A = arith.divf %broadcast_in_dim3A_100, %add3A_126 : vector<1x4096xf32>
    %max3A_127 = vector.broadcast %get3A_120 : vector<1x1xf32> to vector<1x4096xf32>
    %max3A_128 = arith.maximumf %div3A, %max3A_127 : vector<1x4096xf32>
    %min3A = vector.broadcast %get3A_123 : vector<1x1xf32> to vector<1x4096xf32>
    %min3A_129 = arith.minimumf %max3A_128, %min3A : vector<1x4096xf32>
    %swap3A_130 = arith.constant 0 : index
    %swap3A_131 = arith.constant 0 : index
    %swap3A_132 = vector.load %arg11[%swap3A_130, %swap3A_131] : memref<1x4096xf32, #tpu.memory_space<vmem>>, vector<1x4096xf32>
    tpu.vector_store %arg11[%swap3A_130, %swap3A_131], %min3A_129 {strides = array<i32>} : memref<1x4096xf32, #tpu.memory_space<vmem>>, vector<1x4096xf32>,
    %swap3A_133 = arith.constant 0 : index
    %swap3A_134 = arith.constant 0 : index
    %swap3A_135 = vector.load %arg12[%swap3A_133, %swap3A_134] : memref<1x4096xf32, #tpu.memory_space<vmem>>, vector<1x4096xf32>
    tpu.vector_store %arg12[%swap3A_133, %swap3A_134], %broadcast_in_dim3A_72 {strides = array<i32>} : memref<1x4096xf32, #tpu.memory_space<vmem>>, vector<1x4096xf32>,
    return
  }
}

</mosaic_0001>

<sc_bundles>
// kernel: kernel.5.cloned.1.call-start
scs
__scs_entry_jumppad:
0x0: {  	(pc) =	sbr.rel $0x88, $3  }
0x1: {  	(tag) =	ssettag $0x0;
	lr =	simm.s32 $0x1  }
0x2: {  	[smem:$0x3F96] =	sst lr;
	_ =	strace $0xD0000000  }
0x3: {  	_ = 	snop  }
0x4: {  	_ = 	snop  }
0x5: {  	_ = 	snop  }
0x6: {  	_ = 	snop  }
0x7: {  	_ = 	snop  }
__scs_overlays_trampoline_lowered:
0x8: {  	[smem:$0x3FA5] =	sst s0  }
0x9: {  	[smem:$0x3FA6] =	sst s1  }
0xa: {  	[smem:$0x3FA7] =	sst s2  }
0xb: {  	[smem:$0x3FA8] =	sst s3  }
0xc: {  	[smem:$0x3FA9] =	sst s4  }
0xd: {  	[smem:$0x3FAA] =	sst s5  }
0xe: {  	[smem:$0x3FAB] =	sst s6  }
0xf: {  	[smem:$0x3FAC] =	sst s7  }
0x10: {  	[smem:$0x3FAD] =	sst s8  }
0x11: {  	[smem:$0x3FAE] =	sst s9;
	s0 =	simm.s32 @!p0 $0x0  }
0x12: {  	s1 =	sld [smem:$0x3F94];
	s0 =	simm.s32 @p0 $0x1  }
0x13: {  	[smem:$0x3FAF] =	sst s0;
	s0 =	simm.s32 @!p1 $0x0  }
0x14: {  	s2 =	sld [smem:$0x3F93];
	s0 =	simm.s32 @p1 $0x1  }
0x15: {  	[smem:$0x3FB0] =	sst s0;
	s0 =	simm.s32 @!p2 $0x0  }
0x16: {  	s3 =	sld [smem:$0x3FDB];
	s0 =	simm.s32 @p2 $0x1  }
0x17: {  	s4 =	simm.s32 $0x1BF5;
	[smem:$0x3FB2] =	sst s0  }
0x18: {  	s0 =	sld [smem:$0x3F95];
	_ =	swait.ge [sflag:s4], $0x0  }
0x19: {  	s7 =	sld [smem:$0x3F96]  }
0x1a: {  	s8 =	sadd.s32 $0xFFFFE003, lr  }
0x1b: {  	s9 =	sadd.s32 $0xFFFFFEF7, lr;
	s5 =	simm.s32 $0xFFFFFFFF;
	p2 =	slt.u32 s8, $0xFFFFF086  }
0x1c: {  	p1 =	slt.u32 s9, $0xF7A;
	s5 =	simm.s32 @!p2 $0x0  }
0x1d: {  	s5 =	simm.s32 @p1 $0x1;
	p0 =	seq.s32 s7, s2  }
0x1e: {  	s7 =	smul.u32 @!p0 $0xF7A, s2;
	p2 =	seq.s32 @!p0 s5, $0x0  }
0x1f: {  	s9 =	smul.u32 $0xF7A, s1;
	s8 =	simm.s32 @!p0 $0x1BF5;
	p2 =	por !p2, p0  }
0x20: {  	[sflag:s8] =	ssyncset.s32 @!p0 $0xFFFFF086;
	s6 =	sadd.s32 @!p0 s3, s7;
	s7 =	simm.s32 @!p0 $0x108  }
0x21: {  	s3 =	sadd.s32 s3, s9;
	s6 =	sadd.s32 @!p0 $0x88, s6;
	s7 =	simm.s32 @p2 $0x1082  }
0x22: {  	[simem:s7], [sflag:s8] =	dma.local @!p0 [hbm:s6], $0xF7A  }
0x23: {  	s9 =	sor.u32 $0xD0000000, s2;
	s6 =	simm.s32 $0x108;
	_ =	swait.ge @!p0 [sflag:s8], $0x0  }
0x24: {  	s3 =	sadd.s32 $0x88, s3;
	s6 =	simm.s32 @!p1 $0x1082;
	[sflag:s4] =	ssyncset.s32 $0xFFFFF086  }
0x25: {  	[simem:s6], [sflag:s4] =	dma.local [hbm:s3], $0xF7A  }
0x26: {  	[smem:$0x3F96] =	sst s1;
	(tag) =	ssettag s2;
	_ =	strace s9  }
0x27: {  	s1 =	sld [smem:$0x3FA6]  }
0x28: {  	s2 =	sld [smem:$0x3FA7]  }
0x29: {  	s4 =	sld [smem:$0x3FA9]  }
0x2a: {  	p0 =	seq.s32 s5, $0x0;
	s5 =	sld [smem:$0x3FAA]  }
0x2b: {  	s6 =	sld [smem:$0x3FAB]  }
0x2c: {  	s7 =	sld [smem:$0x3FAC]  }
0x2d: {  	s3 =	simm.s32 $0x108;
	s8 =	sld [smem:$0x3FAD]  }
0x2e: {  	s3 =	simm.s32 @!p0 $0x1082;
	s9 =	sld [smem:$0x3FAE]  }
0x2f: {  	lr =	sadd.s32 s0, s3;
	s0 =	sld [smem:$0x3FA5]  }
0x30: {  	s3 =	sld [smem:$0x3FA8]  }
0x31: {  	[smem:$0x3FB1] =	sst s10  }
0x32: {  	s10 =	sld [smem:$0x3FAF];
	_ =	sdelay $0x3  }
0x33: {  	p0 =	seq.s32 s10, $0x1;
	s10 =	sld [smem:$0x3FB1];
	_ =	sdelay $0x3  }
0x34: {  	[smem:$0x3FB1] =	sst s10  }
0x35: {  	s10 =	sld [smem:$0x3FB0];
	_ =	sdelay $0x3  }
0x36: {  	p1 =	seq.s32 s10, $0x1;
	s10 =	sld [smem:$0x3FB1];
	_ =	sdelay $0x3  }
0x37: {  	[smem:$0x3FB1] =	sst s10  }
0x38: {  	s10 =	sld [smem:$0x3FB2]  }
0x39: {  	_ = 	snop;
	(pc) =	sbr.ind lr, $3  }
0x3a: {  	_ = 	snop  }
0x3b: {  	_ = 	snop  }
0x3c: {  	p2 =	seq.s32 s10, $0x1;
	s10 =	sld [smem:$0x3FB1]  }
0x3d: {  	_ =	shalt  }
0x3e: {  	_ =	shalt  }
0x3f: {  	_ =	shalt  }
0x40: {  	_ =	shalt  }
0x41: {  	_ =	shalt  }
0x42: {  	_ =	shalt  }
0x43: {  	_ =	shalt  }
0x44: {  	_ =	shalt  }
0x45: {  	_ =	shalt  }
0x46: {  	_ =	shalt  }
0x47: {  	_ =	shalt  }
0x48: {  	_ =	shalt  }
0x49: {  	_ =	shalt  }
0x4a: {  	_ =	shalt  }
0x4b: {  	_ =	shalt  }
0x4c: {  	_ =	shalt  }
0x4d: {  	_ =	shalt  }
0x4e: {  	_ =	shalt  }
0x4f: {  	_ =	shalt  }
0x50: {  	_ =	shalt  }
0x51: {  	_ =	shalt  }
0x52: {  	_ =	shalt  }
0x53: {  	_ =	shalt  }
0x54: {  	_ =	shalt  }
0x55: {  	_ =	shalt  }
0x56: {  	_ =	shalt  }
0x57: {  	_ =	shalt  }
0x58: {  	_ =	shalt  }
0x59: {  	_ =	shalt  }
0x5a: {  	_ =	shalt  }
0x5b: {  	_ =	shalt  }
0x5c: {  	_ =	shalt  }
0x5d: {  	_ =	shalt  }
0x5e: {  	_ =	shalt  }
0x5f: {  	_ =	shalt  }
0x60: {  	_ =	shalt  }
0x61: {  	_ =	shalt  }
0x62: {  	_ =	shalt  }
0x63: {  	_ =	shalt  }
0x64: {  	_ =	shalt  }
0x65: {  	_ =	shalt  }
0x66: {  	_ =	shalt  }
0x67: {  	_ =	shalt  }
0x68: {  	_ =	shalt  }
0x69: {  	_ =	shalt  }
0x6a: {  	_ =	shalt  }
0x6b: {  	_ =	shalt  }
0x6c: {  	_ =	shalt  }
0x6d: {  	_ =	shalt  }
0x6e: {  	_ =	shalt  }
0x6f: {  	_ =	shalt  }
0x70: {  	_ =	shalt  }
0x71: {  	_ =	shalt  }
0x72: {  	_ =	shalt  }
0x73: {  	_ =	shalt  }
0x74: {  	_ =	shalt  }
0x75: {  	_ =	shalt  }
0x76: {  	_ =	shalt  }
0x77: {  	_ =	shalt  }
0x78: {  	_ =	shalt  }
0x79: {  	_ =	shalt  }
0x7a: {  	_ =	shalt  }
0x7b: {  	_ =	shalt  }
0x7c: {  	_ =	shalt  }
0x7d: {  	_ =	shalt  }
0x7e: {  	_ =	shalt  }
0x7f: {  	_ =	shalt  }
0x80: {  	_ =	shalt  }
0x81: {  	_ =	shalt  }
0x82: {  	_ =	shalt  }
0x83: {  	_ =	shalt  }
0x84: {  	_ =	shalt  }
0x85: {  	_ =	shalt  }
0x86: {  	_ =	shalt  }
0x87: {  	_ =	shalt  }
.Lfunc_end0:
.L_simem_size_0:
called_computation_lowered:
.L_overlay_start_0:
0x88: {  	s2 =	sld [smem:$0x3FD9]  }
0x89: {  	s3 =	sld [smem:$0x3FFE];
	_ =	sdelay $0x1  }
0x8a: {  	s1 =	srdreg.scid  }
0x8b: {  	s0 =	sand.u32 $0x1, s1  }
0x8c: {  	s17 =	sshll.u32 s0, $0xA;
	s2 =	sadd.s32 s3, s2  }
0x8d: {  	s2 =	sadd.s32 s2, s17  }
0x8e: {  	[smem:$0x3FBD] =	sst s2  }
0x8f: {  	_ = 	snop  }
0x90: {  	s2 =	sld [smem:$0x3FC6];
	(tm) =	ssettm $0x1  }
0x91: {  	s18 =	sld [smem:$0x3FFB];
	_ =	sdelay $0x3  }
0x92: {  	_ =	strace s18  }
0x93: {  	s3 =	sld [smem:$0x3FFC];
	_ =	sdelay $0x3  }
0x94: {  	_ =	strace s3  }
0x95: {  	s3 =	sld [smem:$0x3FFD];
	_ =	sdelay $0x3  }
0x96: {  	_ =	strace s3  }
0x97: {  	_ =	strace $0x8FFFFFFF  }
0x98: {  	s19 =	sld [smem:$0x3FDB];
	_ =	sdelay $0x1  }
0x99: {  	s4 =	simm.s32 $_scs_section_size  }
0x9a: {  	s5 =	simm.s32 $_size__tile_overlayer_lowered;
	s6 =	simm.s32 $_tile_overlayer_lowered  }
0x9b: {  	s22 =	simm.s32 $0x1BFF;
	s21 =	sshll.u32 s6, $0x1;
	s3 =	sadd.s32 s4, s19  }
0x9c: {  	s7 =	simm.s32 $0x0;
	s20 =	sshll.u32 s5, $0x1;
	s5 =	sadd.s32 s21, s3  }
0x9d: {  	[timem:s7], [sflag:s22] =	dma.local [hbm:s5], s20  }
0x9e: {  	_ =	swait.ge [sflag:s22], s20  }
0x9f: {  	s4 =	ssub.s32 $0x0, s20;
	[sflag:s22] =	ssyncset.done $0x0  }
0xa0: {  	[sflag:s22] =	ssyncadd.s32 s4;
	_ =	sdelay $0x1  }
0xa1: {  	s23 =	simm.s32 $0x1B8B  }
0xa2: {  	_ =	swait.ge [sflag:s23], $0x1  }
0xa3: {  	[sflag:s23] =	ssyncset.done $0x0  }
0xa4: {  	s25 =	simm.s32 $0x1B8E;
	s24 =	sld [smem:$0x3FFE];
	[sflag:s23] =	ssyncadd.s32 $0xFFFFFFFF  }
0xa5: {  	s26 =	simm.s32 $execute0_lowered;
	[smem:$0x3FD2] =	sst s25  }
0xa6: {  	s5 =	sshll.u32 s26, $0x1;
	_ =	strace $0x80000046;
	[dreg:$0x1] =	wrdreg $0xFFFFFFFF  }
0xa7: {  	s28 =	simm.s32 $_size_execute0_lowered;
	s3 =	sadd.s32 s3, s5;
	[dreg:$0x0] =	wrdreg $0x0  }
0xa8: {  	s5 =	sshll.u32 s28, $0x1;
	[dreg:$0x2] =	wrdreg s3  }
0xa9: {  	[dreg:$0x3] =	wrdreg s5  }
0xaa: {  	[dreg:$0x4] =	wrdreg $0xC0  }
0xab: {  	_ =	task [dreg:s7], $0x5FFFF  }
0xac: {  	[dreg:$0x1] =	wrdreg $0xFFFFFFFF  }
0xad: {  	[dreg:$0x0] =	wrdreg $0x60  }
0xae: {  	[dreg:$0x2] =	wrdreg s24  }
0xaf: {  	[dreg:$0x3] =	wrdreg s2  }
0xb0: {  	[dreg:$0x4] =	wrdreg $0x9  }
0xb1: {  	_ =	task.clear_ibuf [dreg:s7], $0x5FFFF;
	_ =	strace $0x90000046  }
0xb2: {  	s29 =	simm.s32 $0x9;
	_ =	strace $0x80000048  }
0xb3: {  	_ =	swait.ge [sflag:s29], $0x1  }
0xb4: {  	[sflag:s29] =	ssyncadd.s32 $0xFFFFFFFF  }
0xb5: {  	_ =	strace $0x90000048  }
0xb6: {  	_ =	sfence  }
0xb7: {  	s30 =	sld [smem:$0x0];
	_ =	sdelay $0x2  }
0xb8: {  	s31 =	sshll.u32 s1, $0xD;
	s1 =	sshrl.u32 s1, $0x2  }
0xb9: {  	s3 =	sand.u32 $0x4000, s31;
	s1 =	sadd.s32 s1, s30  }
0xba: {  	s0 =	sor.u32 s3, s0;
	s1 =	sshll.u32 s1, $0x11  }
0xbb: {  	s0 =	sor.u32 s1, s0  }
0xbc: {  	s0 =	sadd.s32 $0x8F2B, s0  }
0xbd: {  	[sflag:s0] =	ssyncadd.remote.s32 $0x1  }
0xbe: {  	_ =	sfence.sel $0xFFFF  }
0xbf: {  	[dreg:$0x0] =	wrdreg $0xFFFFFFFF;
	(pc) =	sbr.abs _section_cstart, $3  }
0xc0: {  	[dreg:$0x1] =	wrdreg $0xFFFFFFFF  }
0xc1: {  	_ =	task.clear_ibuf [dreg:s7], $0x2FFFF;
	_ =	strace $0x9FFFFFFF  }
0xc2: {  	(tm) =	ssettm $0x7FFFFFFF  }
0xc3: {  	_ =	shalt  }
tec
execute0_lowered:
.L_overlay_start_1:
0x0: {  	(tag) =	ssettag $0x1  }
0x1: {  	s1 =	rddreg [dreg:$0x0]  }
0x2: {  	s0 =	srdreg.scid;
	s3 =	rddreg [dreg:$0x1]  }
0x3: {  	s6 =	stileid.u32;
	s2 =	simm.s32 $0x0;
	s29 =	simm.s32 $0x4000  }
0x4: {  	s30 =	simm.s32 $0x6000;
	s31 =	simm.s32 $0x8000;
	s0 =	sand.u32 $0x1, s0  }
0x5: {  	[smem:$0x7FF] =	sst s2;
	s24 =	sadd.s32 $0x2800, s1;
	s26 =	sadd.s32 $0x2810, s1  }
0x6: {  	s28 =	sadd.s32 $0x2820, s1;
	s10 =	sadd.s32 $0x2830, s1;
	s16 =	sadd.s32 $0x2840, s1  }
0x7: {  	s17 =	sadd.s32 $0x2850, s1;
	s4 =	sshll.u32 s0, $0x4;
	_ =	strace $0x80000047  }
0x8: {  	s0 =	ssub.s32 $0x2, s0;
	s4 =	sor.u32 s6, s4;
	s6 =	sshll.u32 s6, $0x4  }
0x9: {  	s7 =	sshrl.u32 s0, $0x1;
	s5 =	sshll.u32 s4, $0x9;
	s8 =	sshll.u32 s4, $0xE  }
0xa: {  	s0 =	ssub.s32 s0, s7;
	s13 =	sshll.u32 s4, $0x7;
	s25 =	sadd.s32 s24, s8  }
0xb: {  	s4 =	sshll.u32 s4, $0xB;
	s9 =	sadd.s32 s8, s26;
	[dreg:$0x3] =	wrdreg s25  }
0xc: {  	s7 =	simm.s32 $0x4;
	s11 =	sadd.s32 s8, s28;
	[dreg:$0x4] =	wrdreg s9  }
0xd: {  	s5 =	sor.u32 s6, s5;
	s15 =	sadd.s32 s8, s10;
	[dreg:$0x5] =	wrdreg s11  }
0xe: {  	s12 =	sadd.s32 s8, s16;
	s14 =	sadd.s32 s8, s17;
	[dreg:$0x6] =	wrdreg s15  }
0xf: {  	s13 =	sor.u32 $0x40, s13;
	s4 =	sadd.s32 s3, s4;
	[dreg:$0x7] =	wrdreg s12  }
0x10: {  	s6 =	simm.s32 $0x3;
	s5 =	sand.u32 $0x3070, s5;
	[dreg:$0x8] =	wrdreg s14  }
0x11: {  	s18 =	sshll.u32 s13, $0x7;
	[dreg:$0xa] =	wrdreg s4;
	s25 =	sshll.u32 s13, $0x4  }
0x12: {  	s4 =	simm.s32 $0x1;
	s9 =	simm.s32 $0x6;
	s11 =	simm.s32 $0x8  }
0x13: {  	s12 =	simm.s32 $0x13000;
	s13 =	simm.s32 $0x10000;
	s14 =	simm.s32 $0x11000  }
0x14: {  	s15 =	simm.s32 $0x12000;
	s5 =	sadd.s32 s5, s1;
	s19 =	sadd.s32 s24, s18  }
0x15: {  	s1 =	sadd.s32 $0x2860, s1;
	s20 =	sadd.s32 s18, s26;
	[dreg:$0xb] =	wrdreg s19  }
0x16: {  	s21 =	sadd.s32 s18, s28;
	s22 =	sadd.s32 s18, s10;
	[dreg:$0xc] =	wrdreg s20  }
0x17: {  	s23 =	sadd.s32 s18, s16;
	s24 =	sadd.s32 s18, s17;
	[dreg:$0xd] =	wrdreg s21  }
0x18: {  	s10 =	simm.s32 $0x7;
	s16 =	simm.s32 $0x14000;
	[dreg:$0xe] =	wrdreg s22  }
0x19: {  	s17 =	simm.s32 $0x9;
	s8 =	sadd.s32 s8, s1;
	[dreg:$0xf] =	wrdreg s23  }
0x1a: {  	[dreg:$0x10] =	wrdreg s24;
	s1 =	sadd.s32 s18, s1;
	s26 =	sadd.s32 $0x82800, s5  }
0x1b: {  	s28 =	sadd.s32 $0x86800, s5;
	s21 =	sadd.s32 $0x8A800, s5;
	[dreg:$0x9] =	wrdreg s8  }
0x1c: {  	s22 =	sadd.s32 $0x8E800, s5;
	s23 =	sadd.s32 $0x92800, s5;
	[dreg:$0x11] =	wrdreg s1  }
0x1d: {  	s24 =	smax.u32 s0, $0x1;
	s0 =	simm.s32 $0xA000;
	[dreg:$0x13] =	wrdreg s26  }
0x1e: {  	s5 =	simm.s32 $0x2;
	s1 =	sadd.s32 s3, s25;
	[dreg:$0x14] =	wrdreg s28  }
0x1f: {  	s25 =	simm.s32 $0x80;
	s26 =	simm.s32 $0x400;
	s3 =	simm.s32 $0xE000  }
0x20: {  	v0 =	vimm.f32 $0.0e+00;
	s8 =	simm.s32 $0x5;
	[dreg:$0x12] =	wrdreg s1;
	s1 =	simm.s32 $0xC000  }
.LBB2_1:
0x21: {  	s19 =	simm.s32 $0x40;
	s18 =	simm.s32 $0x0  }
.LBB2_2:
0x22: {  	p0 =	sne.s32 s19, $0x3FC0;
	[tilespmem:s18+$0x14000] =	vst v0;
	s20 =	smov.u32 s19;
	s19 =	sadd.s32 $0x40, s19  }
.Ltmp0:
0x23: {  	[tilespmem:s18+$0x13000] =	vst v0;
	(pc) =	sbr.rel @p0 .LBB2_2-.Ltmp0, $4  }
0x24: {  	[tilespmem:s18+$0x12000] =	vst v0  }
0x25: {  	[tilespmem:s18+$0x10000] =	vst v0  }
0x26: {  	[tilespmem:s18+$0x11000] =	vst v0  }
0x27: {  	s18 =	sshra.s32 s20, $0x2  }
0x28: {  	[tilespmem:s18+$0x14000] =	vst v0  }
0x29: {  	[tilespmem:s18+$0x13000] =	vst v0  }
0x2a: {  	[tilespmem:s18+$0x12000] =	vst v0  }
0x2b: {  	[tilespmem:s18+$0x10000] =	vst v0  }
0x2c: {  	[tilespmem:s18+$0x11000] =	vst v0;
	s18 =	simm.s32 $0x0;
	s19 =	rddreg [dreg:$0x3]  }
0x2d: {  	[tilespmem:s18], [sflag:$0x1] =	stream.strided.gather [hbm4b:s19+s25], $0x2000, s26, s25, $0x38;
	[tilespmem:$0x15000] =	vst v63  }
0x2e: {  	s28 =	rddreg [dreg:$0x4];
	s20 =	simm.s32 $0x2000  }
0x2f: {  	[tilespmem:s20], [sflag:$0x2] =	stream.strided.gather [hbm4b:s28+s25], $0x2000, s26, s25, $0x38;
	[tilespmem:$0x15000] =	vst v63  }
0x30: {  	s20 =	rddreg [dreg:$0x5]  }
0x31: {  	[tilespmem:s29], [sflag:$0x3] =	stream.strided.gather [hbm4b:s20+s25], $0x2000, s26, s25, $0x38;
	[tilespmem:$0x15000] =	vst v63  }
0x32: {  	s28 =	rddreg [dreg:$0x6]  }
0x33: {  	[tilespmem:s30], [sflag:$0x4] =	stream.strided.gather [hbm4b:s28+s25], $0x2000, s26, s25, $0x38;
	[tilespmem:$0x15000] =	vst v63  }
0x34: {  	s20 =	rddreg [dreg:$0x7]  }
0x35: {  	[tilespmem:s31], [sflag:$0x5] =	stream.strided.gather [hbm4b:s20+s25], $0x2000, s26, s25, $0x38;
	[tilespmem:$0x15000] =	vst v63  }
0x36: {  	s28 =	rddreg [dreg:$0x8]  }
0x37: {  	[tilespmem:s0], [sflag:$0x6] =	stream.strided.gather [hbm4b:s28+s25], $0x2000, s26, s25, $0x38;
	[tilespmem:$0x15000] =	vst v63  }
0x38: {  	s20 =	rddreg [dreg:$0x9]  }
0x39: {  	[tilespmem:s1], [sflag:$0x7] =	stream.strided.gather [hbm4b:s20+s25], $0x2000, s26, s25, $0x38;
	[tilespmem:$0x15000] =	vst v63  }
0x3a: {  	s28 =	rddreg [dreg:$0xa]  }
0x3b: {  	[tilespmem:s3], [sflag:$0x8] =	stream.linear.gather [hbm4b:s28+s18], $0x2000, $0x38;
	[tilespmem:$0x15000] =	vst v63  }
0x3c: {  	_ =	swait.ge [sflag:s4], $0x2000  }
0x3d: {  	[sflag:s4] =	ssyncset.done $0x0  }
0x3e: {  	[sflag:s4] =	ssyncadd.s32 $0xFFFFE000  }
0x3f: {  	_ =	swait.ge [sflag:s5], $0x2000  }
0x40: {  	[sflag:s5] =	ssyncset.done $0x0  }
0x41: {  	[sflag:s5] =	ssyncadd.s32 $0xFFFFE000  }
0x42: {  	_ =	swait.ge [sflag:s6], $0x2000  }
0x43: {  	[sflag:s6] =	ssyncset.done $0x0  }
0x44: {  	[sflag:s6] =	ssyncadd.s32 $0xFFFFE000  }
0x45: {  	_ =	swait.ge [sflag:s7], $0x2000  }
0x46: {  	[sflag:s7] =	ssyncset.done $0x0  }
0x47: {  	[sflag:s7] =	ssyncadd.s32 $0xFFFFE000  }
0x48: {  	_ =	swait.ge [sflag:s8], $0x2000  }
0x49: {  	[sflag:s8] =	ssyncset.done $0x0  }
0x4a: {  	[sflag:s8] =	ssyncadd.s32 $0xFFFFE000  }
0x4b: {  	_ =	swait.ge [sflag:s9], $0x2000  }
0x4c: {  	[sflag:s9] =	ssyncset.done $0x0  }
0x4d: {  	[sflag:s9] =	ssyncadd.s32 $0xFFFFE000  }
0x4e: {  	_ =	swait.ge [sflag:s10], $0x2000  }
0x4f: {  	[sflag:s10] =	ssyncset.done $0x0  }
0x50: {  	[sflag:s10] =	ssyncadd.s32 $0xFFFFE000  }
0x51: {  	_ =	swait.ge [sflag:s11], $0x2000  }
0x52: {  	[sflag:s11] =	ssyncset.done $0x0  }
0x53: {  	[sflag:s11] =	ssyncadd.s32 $0xFFFFE000  }
0x54: {  	v1 =	vld [tilespmem:$0x0];
	_ =	sdelay $0x4  }
0x55: {  	(v2sf) =	vpush v1, $0x0;
	_ =	sdelay $0x2  }
0x56: {  	s20 =	simm.s32 $0x0  }
0x57: {  	v1 =	vld [tilespmem:s20+$0x2000];
	_ =	sdelay $0x4  }
0x58: {  	(xrf0) =	vmax.scan.msk.f32 $0xffff, v1;
	_ =	sdelay $0x2  }
0x59: {  	v1 =	vld [tilespmem:s20+$0x0];
	_ =	sdelay $0x2  }
0x5a: {  	v2, _, _ =	vpop (xrf0);
	s28 =	spop (v2sf)  }
0x5b: {  	v2 =	vmax.f32 v2, s28  }
0x5c: {  	v1 =	vsub.f32 v2, v1;
	_ =	sdelay $0x1  }
0x5d: {  	v1 =	vmul.f32 $1.442695020e+00, v1;
	_ =	sdelay $0x1  }
0x5e: {  	(erf) = vpow2.f32 v1;
	_ =	sdelay $0x3  }
0x5f: {  	v1 =	vld [tilespmem:s20+$0xE000]  }
0x60: {  	v3 =	vld [tilespmem:s20+$0x4000];
	_ =	sdelay $0x3  }
0x61: {  	v4 =	vpop (erf)  }
0x62: {  	v3 =	vmul.f32 v4, v3;
	_ =	sdelay $0x1  }
0x63: {  	[tilespmem:v1+s12+$0x0] =	vst.idx.add.f32.msk $0xffff, v3  }
0x64: {  	v62 =	vld [tilespmem:s20+$0x6000];
	_ =	sdelay $0x4  }
0x65: {  	v4 =	vmul.f32 v3, v62;
	_ =	sdelay $0x1  }
0x66: {  	(xrf0) =	vmax.scan.msk.f32 $0xffff, v2;
	[tilespmem:v1+s13+$0x0] =	vst.idx.add.f32.msk $0xffff, v4  }
0x67: {  	v2 =	vld [tilespmem:s20+$0x8000];
	_ =	sdelay $0x4  }
0x68: {  	v63, _, _ =	vpop (xrf0);
	v2 =	vmul.f32 v2, v3  }
0x69: {  	(v2sf) =	vpush v63, $0xF  }
0x6a: {  	[tilespmem:v1+s14+$0x0] =	vst.idx.add.f32.msk $0xffff, v2  }
0x6b: {  	v2 =	vld [tilespmem:s20+$0xA000];
	_ =	sdelay $0x4  }
0x6c: {  	v2 =	vmul.f32 v2, v3;
	_ =	sdelay $0x1  }
0x6d: {  	[tilespmem:v1+s15+$0x0] =	vst.idx.add.f32.msk $0xffff, v2  }
0x6e: {  	v2 =	vld [tilespmem:s20+$0xC000];
	_ =	sdelay $0x4  }
0x6f: {  	s19 =	simm.s32 $0x80;
	s18 =	simm.s32 $0x40;
	s20 =	spop (v2sf);
	v2 =	vmul.f32 v2, v3  }
.LBB2_4:
0x70: {  	p0 =	sne.s32 s19, $0x7FC0  }
0x71: {  	s28 =	sshra.s32 s18, $0x2;
	s18 =	smov.u32 s19;
	s19 =	sadd.s32 $0x40, s19;
	[tilespmem:v1+s16+$0x0] =	vst.idx.add.f32.msk $0xffff, v2  }
0x72: {  	v1 =	vld [tilespmem:s28+$0x2000];
	_ =	sdelay $0x4  }
0x73: {  	(xrf0) =	vmax.scan.msk.f32 $0xffff, v1;
	_ =	sdelay $0x2  }
0x74: {  	v1 =	vld [tilespmem:s28+$0x0];
	_ =	sdelay $0x2  }
0x75: {  	v2, _, _ =	vpop (xrf0)  }
0x76: {  	v2 =	vmax.f32 v2, s20  }
0x77: {  	v1 =	vsub.f32 v2, v1;
	(xrf0) =	vmax.scan.msk.f32 $0xffff, v2;
	_ =	sdelay $0x1  }
0x78: {  	v1 =	vmul.f32 $1.442695020e+00, v1;
	_ =	sdelay $0x1  }
0x79: {  	(erf) = vpow2.f32 v1;
	_ =	sdelay $0x1  }
0x7a: {  	v1, _, _ =	vpop (xrf0)  }
0x7b: {  	(v2sf) =	vpush v1, $0xF  }
0x7c: {  	v1 =	vld [tilespmem:s28+$0xE000]  }
0x7d: {  	v2 =	vld [tilespmem:s28+$0x4000];
	_ =	sdelay $0x3  }
0x7e: {  	v3 =	vpop (erf)  }
0x7f: {  	v2 =	vmul.f32 v3, v2;
	_ =	sdelay $0x1  }
0x80: {  	[tilespmem:v1+s12+$0x0] =	vst.idx.add.f32.msk $0xffff, v2  }
0x81: {  	v3 =	vld [tilespmem:s28+$0x6000];
	_ =	sdelay $0x4  }
0x82: {  	v3 =	vmul.f32 v2, v3;
	s20 =	spop (v2sf);
	_ =	sdelay $0x1  }
0x83: {  	[tilespmem:v1+s13+$0x0] =	vst.idx.add.f32.msk $0xffff, v3  }
0x84: {  	v3 =	vld [tilespmem:s28+$0x8000];
	_ =	sdelay $0x4  }
0x85: {  	v3 =	vmul.f32 v3, v2;
	_ =	sdelay $0x1  }
0x86: {  	[tilespmem:v1+s14+$0x0] =	vst.idx.add.f32.msk $0xffff, v3  }
0x87: {  	v3 =	vld [tilespmem:s28+$0xA000];
	_ =	sdelay $0x4  }
0x88: {  	v3 =	vmul.f32 v3, v2;
	_ =	sdelay $0x1  }
0x89: {  	[tilespmem:v1+s15+$0x0] =	vst.idx.add.f32.msk $0xffff, v3  }
0x8a: {  	v3 =	vld [tilespmem:s28+$0xC000]  }
.Ltmp1:
0x8b: {  	(pc) =	sbr.rel @p0 .LBB2_4-.Ltmp1, $2  }
0x8c: {  	_ =	sdelay $0x2  }
0x8d: {  	v2 =	vmul.f32 v3, v2  }
0x8e: {  	_ =	sdelay $0x3  }
0x8f: {  	s18 =	sshra.s32 s18, $0x2;
	[tilespmem:v1+s16+$0x0] =	vst.idx.add.f32.msk $0xffff, v2  }
0x90: {  	v1 =	vld [tilespmem:s18+$0x2000];
	_ =	sdelay $0x4  }
0x91: {  	(xrf0) =	vmax.scan.msk.f32 $0xffff, v1;
	_ =	sdelay $0x2  }
0x92: {  	v1 =	vld [tilespmem:s18+$0x0];
	_ =	sdelay $0x2  }
0x93: {  	v2, _, _ =	vpop (xrf0)  }
0x94: {  	v2 =	vmax.f32 v2, s20  }
0x95: {  	v1 =	vsub.f32 v2, v1;
	_ =	sdelay $0x1  }
0x96: {  	v1 =	vmul.f32 $1.442695020e+00, v1;
	_ =	sdelay $0x1  }
0x97: {  	(erf) = vpow2.f32 v1;
	_ =	sdelay $0x3  }
0x98: {  	v1 =	vld [tilespmem:s18+$0xE000]  }
0x99: {  	v3 =	vld [tilespmem:s18+$0x4000];
	_ =	sdelay $0x3  }
0x9a: {  	v4 =	vpop (erf)  }
0x9b: {  	v3 =	vmul.f32 v4, v3;
	_ =	sdelay $0x1  }
0x9c: {  	[tilespmem:v1+s12+$0x0] =	vst.idx.add.f32.msk $0xffff, v3  }
0x9d: {  	v59 =	vld [tilespmem:s18+$0x6000];
	_ =	sdelay $0x4  }
0x9e: {  	v4 =	vmul.f32 v3, v59;
	_ =	sdelay $0x1  }
0x9f: {  	[tilespmem:v1+s13+$0x0] =	vst.idx.add.f32.msk $0xffff, v4  }
0xa0: {  	v4 =	vld [tilespmem:s18+$0x8000];
	_ =	sdelay $0x2  }
0xa1: {  	(xrf0) =	vmax.scan.msk.f32 $0xffff, v2;
	_ =	sdelay $0x1  }
0xa2: {  	v4 =	vmul.f32 v4, v3;
	_ =	sdelay $0x1  }
0xa3: {  	[tilespmem:v1+s14+$0x0] =	vst.idx.add.f32.msk $0xffff, v4  }
0xa4: {  	v4 =	vld [tilespmem:s18+$0xA000]  }
0xa5: {  	v60, _, _ =	vpop (xrf0)  }
0xa6: {  	(v2sf) =	vpush v60, $0xF;
	_ =	sdelay $0x2  }
0xa7: {  	v2 =	vmul.f32 v4, v3;
	_ =	sdelay $0x1  }
0xa8: {  	[tilespmem:v1+s15+$0x0] =	vst.idx.add.f32.msk $0xffff, v2  }
0xa9: {  	v2 =	vld [tilespmem:s18+$0xC000];
	_ =	sdelay $0x4  }
0xaa: {  	v2 =	vmul.f32 v2, v3;
	_ =	sdelay $0x1  }
0xab: {  	s19 =	rddreg [dreg:$0xb];
	s18 =	simm.s32 $0x0;
	[tilespmem:v1+s16+$0x0] =	vst.idx.add.f32.msk $0xffff, v2  }
0xac: {  	[tilespmem:s18], [sflag:$0x1] =	stream.strided.gather [hbm4b:s19+s25], $0x2000, s26, s25, $0x38;
	[tilespmem:$0x15000] =	vst v63  }
0xad: {  	s20 =	rddreg [dreg:$0xc];
	s19 =	spop (v2sf)  }
0xae: {  	s28 =	simm.s32 $0x2000;
	[smem:$0x0] =	sst s19  }
0xaf: {  	[tilespmem:s28], [sflag:$0x2] =	stream.strided.gather [hbm4b:s20+s25], $0x2000, s26, s25, $0x38;
	[tilespmem:$0x15000] =	vst v63  }
0xb0: {  	s28 =	rddreg [dreg:$0xd]  }
0xb1: {  	[tilespmem:s29], [sflag:$0x3] =	stream.strided.gather [hbm4b:s28+s25], $0x2000, s26, s25, $0x38;
	[tilespmem:$0x15000] =	vst v63  }
0xb2: {  	s20 =	rddreg [dreg:$0xe]  }
0xb3: {  	[tilespmem:s30], [sflag:$0x4] =	stream.strided.gather [hbm4b:s20+s25], $0x2000, s26, s25, $0x38;
	[tilespmem:$0x15000] =	vst v63  }
0xb4: {  	s28 =	rddreg [dreg:$0xf]  }
0xb5: {  	[tilespmem:s31], [sflag:$0x5] =	stream.strided.gather [hbm4b:s28+s25], $0x2000, s26, s25, $0x38;
	[tilespmem:$0x15000] =	vst v63  }
0xb6: {  	s20 =	rddreg [dreg:$0x10]  }
0xb7: {  	[tilespmem:s0], [sflag:$0x6] =	stream.strided.gather [hbm4b:s20+s25], $0x2000, s26, s25, $0x38;
	[tilespmem:$0x15000] =	vst v63  }
0xb8: {  	s28 =	rddreg [dreg:$0x11]  }
0xb9: {  	[tilespmem:s1], [sflag:$0x7] =	stream.strided.gather [hbm4b:s28+s25], $0x2000, s26, s25, $0x38;
	[tilespmem:$0x15000] =	vst v63  }
0xba: {  	s28 =	rddreg [dreg:$0x12]  }
0xbb: {  	[tilespmem:s3], [sflag:$0x8] =	stream.linear.gather [hbm4b:s28+s18], $0x2000, $0x38;
	[tilespmem:$0x15000] =	vst v63  }
0xbc: {  	_ =	swait.ge [sflag:s4], $0x2000  }
0xbd: {  	[sflag:s4] =	ssyncset.done $0x0  }
0xbe: {  	[sflag:s4] =	ssyncadd.s32 $0xFFFFE000  }
0xbf: {  	_ =	swait.ge [sflag:s5], $0x2000  }
0xc0: {  	[sflag:s5] =	ssyncset.done $0x0  }
0xc1: {  	[sflag:s5] =	ssyncadd.s32 $0xFFFFE000  }
0xc2: {  	_ =	swait.ge [sflag:s6], $0x2000  }
0xc3: {  	[sflag:s6] =	ssyncset.done $0x0  }
0xc4: {  	[sflag:s6] =	ssyncadd.s32 $0xFFFFE000  }
0xc5: {  	_ =	swait.ge [sflag:s7], $0x2000  }
0xc6: {  	[sflag:s7] =	ssyncset.done $0x0  }
0xc7: {  	[sflag:s7] =	ssyncadd.s32 $0xFFFFE000  }
0xc8: {  	_ =	swait.ge [sflag:s8], $0x2000  }
0xc9: {  	[sflag:s8] =	ssyncset.done $0x0  }
0xca: {  	[sflag:s8] =	ssyncadd.s32 $0xFFFFE000  }
0xcb: {  	_ =	swait.ge [sflag:s9], $0x2000  }
0xcc: {  	[sflag:s9] =	ssyncset.done $0x0  }
0xcd: {  	[sflag:s9] =	ssyncadd.s32 $0xFFFFE000  }
0xce: {  	_ =	swait.ge [sflag:s10], $0x2000  }
0xcf: {  	[sflag:s10] =	ssyncset.done $0x0  }
0xd0: {  	[sflag:s10] =	ssyncadd.s32 $0xFFFFE000  }
0xd1: {  	_ =	swait.ge [sflag:s11], $0x2000  }
0xd2: {  	[sflag:s11] =	ssyncset.done $0x0  }
0xd3: {  	s28 =	simm.s32 $0x0;
	[sflag:s11] =	ssyncadd.s32 $0xFFFFE000  }
0xd4: {  	v1 =	vld [tilespmem:s28+$0x2000];
	_ =	sdelay $0x4  }
0xd5: {  	(xrf0) =	vmax.scan.msk.f32 $0xffff, v1;
	_ =	sdelay $0x2  }
0xd6: {  	v1 =	vld [tilespmem:s28+$0x0];
	_ =	sdelay $0x2  }
0xd7: {  	v2, _, _ =	vpop (xrf0)  }
0xd8: {  	v2 =	vmax.f32 v2, s19  }
0xd9: {  	v1 =	vsub.f32 v2, v1;
	_ =	sdelay $0x1  }
0xda: {  	v1 =	vmul.f32 $1.442695020e+00, v1;
	_ =	sdelay $0x1  }
0xdb: {  	(erf) = vpow2.f32 v1;
	_ =	sdelay $0x3  }
0xdc: {  	v1 =	vld [tilespmem:s28+$0xE000]  }
0xdd: {  	v3 =	vld [tilespmem:s28+$0x4000];
	_ =	sdelay $0x3  }
0xde: {  	v61 =	vpop (erf)  }
0xdf: {  	v3 =	vmul.f32 v61, v3;
	_ =	sdelay $0x1  }
0xe0: {  	[tilespmem:v1+s12+$0x0] =	vst.idx.add.f32.msk $0xffff, v3  }
0xe1: {  	v62 =	vld [tilespmem:s28+$0x6000];
	_ =	sdelay $0x4  }
0xe2: {  	v4 =	vmul.f32 v3, v62;
	_ =	sdelay $0x1  }
0xe3: {  	(xrf0) =	vmax.scan.msk.f32 $0xffff, v2;
	[tilespmem:v1+s13+$0x0] =	vst.idx.add.f32.msk $0xffff, v4  }
0xe4: {  	v2 =	vld [tilespmem:s28+$0x8000];
	_ =	sdelay $0x4  }
0xe5: {  	v63, _, _ =	vpop (xrf0);
	v2 =	vmul.f32 v2, v3  }
0xe6: {  	(v2sf) =	vpush v63, $0xF  }
0xe7: {  	[tilespmem:v1+s14+$0x0] =	vst.idx.add.f32.msk $0xffff, v2  }
0xe8: {  	v2 =	vld [tilespmem:s28+$0xA000];
	_ =	sdelay $0x4  }
0xe9: {  	v2 =	vmul.f32 v2, v3;
	_ =	sdelay $0x1  }
0xea: {  	[tilespmem:v1+s15+$0x0] =	vst.idx.add.f32.msk $0xffff, v2  }
0xeb: {  	v2 =	vld [tilespmem:s28+$0xC000];
	_ =	sdelay $0x4  }
0xec: {  	s18 =	simm.s32 $0x40;
	s19 =	simm.s32 $0x80;
	s20 =	spop (v2sf);
	v2 =	vmul.f32 v2, v3  }
.LBB2_6:
0xed: {  	p0 =	sne.s32 s19, $0x7FC0  }
0xee: {  	s28 =	sshra.s32 s18, $0x2;
	s18 =	smov.u32 s19;
	s19 =	sadd.s32 $0x40, s19;
	[tilespmem:v1+s16+$0x0] =	vst.idx.add.f32.msk $0xffff, v2  }
0xef: {  	v1 =	vld [tilespmem:s28+$0x2000];
	_ =	sdelay $0x4  }
0xf0: {  	(xrf0) =	vmax.scan.msk.f32 $0xffff, v1;
	_ =	sdelay $0x2  }
0xf1: {  	v1 =	vld [tilespmem:s28+$0x0];
	_ =	sdelay $0x2  }
0xf2: {  	v2, _, _ =	vpop (xrf0)  }
0xf3: {  	v2 =	vmax.f32 v2, s20  }
0xf4: {  	v1 =	vsub.f32 v2, v1;
	(xrf0) =	vmax.scan.msk.f32 $0xffff, v2;
	_ =	sdelay $0x1  }
0xf5: {  	v1 =	vmul.f32 $1.442695020e+00, v1;
	_ =	sdelay $0x1  }
0xf6: {  	(erf) = vpow2.f32 v1;
	_ =	sdelay $0x1  }
0xf7: {  	v1, _, _ =	vpop (xrf0)  }
0xf8: {  	(v2sf) =	vpush v1, $0xF  }
0xf9: {  	v1 =	vld [tilespmem:s28+$0xE000]  }
0xfa: {  	v2 =	vld [tilespmem:s28+$0x4000];
	_ =	sdelay $0x3  }
0xfb: {  	v3 =	vpop (erf)  }
0xfc: {  	v2 =	vmul.f32 v3, v2;
	_ =	sdelay $0x1  }
0xfd: {  	[tilespmem:v1+s12+$0x0] =	vst.idx.add.f32.msk $0xffff, v2  }
0xfe: {  	v3 =	vld [tilespmem:s28+$0x6000];
	_ =	sdelay $0x4  }
0xff: {  	v3 =	vmul.f32 v2, v3;
	s20 =	spop (v2sf);
	_ =	sdelay $0x1  }
0x100: {  	[tilespmem:v1+s13+$0x0] =	vst.idx.add.f32.msk $0xffff, v3  }
0x101: {  	v3 =	vld [tilespmem:s28+$0x8000];
	_ =	sdelay $0x4  }
0x102: {  	v3 =	vmul.f32 v3, v2;
	_ =	sdelay $0x1  }
0x103: {  	[tilespmem:v1+s14+$0x0] =	vst.idx.add.f32.msk $0xffff, v3  }
0x104: {  	v3 =	vld [tilespmem:s28+$0xA000];
	_ =	sdelay $0x4  }
0x105: {  	v3 =	vmul.f32 v3, v2;
	_ =	sdelay $0x1  }
0x106: {  	[tilespmem:v1+s15+$0x0] =	vst.idx.add.f32.msk $0xffff, v3  }
0x107: {  	v3 =	vld [tilespmem:s28+$0xC000]  }
.Ltmp2:
0x108: {  	(pc) =	sbr.rel @p0 .LBB2_6-.Ltmp2, $2  }
0x109: {  	_ =	sdelay $0x2  }
0x10a: {  	v2 =	vmul.f32 v3, v2  }
0x10b: {  	_ =	sdelay $0x3  }
0x10c: {  	s18 =	sshra.s32 s18, $0x2;
	[tilespmem:v1+s16+$0x0] =	vst.idx.add.f32.msk $0xffff, v2  }
0x10d: {  	v1 =	vld [tilespmem:s18+$0x2000];
	_ =	sdelay $0x4  }
0x10e: {  	(xrf0) =	vmax.scan.msk.f32 $0xffff, v1;
	_ =	sdelay $0x2  }
0x10f: {  	v1 =	vld [tilespmem:s18+$0x0];
	_ =	sdelay $0x2  }
0x110: {  	v2, _, _ =	vpop (xrf0)  }
0x111: {  	v2 =	vmax.f32 v2, s20  }
0x112: {  	v1 =	vsub.f32 v2, v1;
	_ =	sdelay $0x1  }
0x113: {  	v1 =	vmul.f32 $1.442695020e+00, v1;
	_ =	sdelay $0x1  }
0x114: {  	(erf) = vpow2.f32 v1;
	_ =	sdelay $0x3  }
0x115: {  	v1 =	vld [tilespmem:s18+$0xE000]  }
0x116: {  	v3 =	vld [tilespmem:s18+$0x4000];
	_ =	sdelay $0x3  }
0x117: {  	v4 =	vpop (erf)  }
0x118: {  	v3 =	vmul.f32 v4, v3;
	_ =	sdelay $0x1  }
0x119: {  	[tilespmem:v1+s12+$0x0] =	vst.idx.add.f32.msk $0xffff, v3  }
0x11a: {  	v62 =	vld [tilespmem:s18+$0x6000];
	_ =	sdelay $0x4  }
0x11b: {  	v4 =	vmul.f32 v3, v62;
	_ =	sdelay $0x1  }
0x11c: {  	[tilespmem:v1+s13+$0x0] =	vst.idx.add.f32.msk $0xffff, v4  }
0x11d: {  	(xrf0) =	vmax.scan.msk.f32 $0xffff, v2;
	v2 =	vld [tilespmem:s18+$0x8000];
	_ =	sdelay $0x4  }
0x11e: {  	v2 =	vmul.f32 v2, v3  }
0x11f: {  	v63, _, _ =	vpop (xrf0)  }
0x120: {  	(v2sf) =	vpush v63, $0xF;
	[tilespmem:v1+s14+$0x0] =	vst.idx.add.f32.msk $0xffff, v2  }
0x121: {  	v2 =	vld [tilespmem:s18+$0xA000];
	_ =	sdelay $0x4  }
0x122: {  	v2 =	vmul.f32 v2, v3;
	_ =	sdelay $0x1  }
0x123: {  	[tilespmem:v1+s15+$0x0] =	vst.idx.add.f32.msk $0xffff, v2  }
0x124: {  	v2 =	vld [tilespmem:s18+$0xC000];
	_ =	sdelay $0x4  }
0x125: {  	v2 =	vmul.f32 v2, v3  }
0x126: {  	s20 =	rddreg [dreg:$0x13];
	s19 =	spop (v2sf)  }
0x127: {  	[smem:$0x0] =	sst s19;
	[tilespmem:v1+s16+$0x0] =	vst.idx.add.f32.msk $0xffff, v2  }
0x128: {  	[hbm4b:s20+s25] =	stream.strided.scatter [tilespmem:s13], [sflag:$0x9], $0x1000, s26, s25, $0x38;
	[tilespmem:$0x15000] =	vst v63  }
0x129: {  	_ =	swait.ge [sflag:s17], $0x1000  }
0x12a: {  	[sflag:s17] =	ssyncset.done $0x0  }
0x12b: {  	s28 =	rddreg [dreg:$0x14];
	[sflag:s17] =	ssyncadd.s32 $0xFFFFF000  }
0x12c: {  	[hbm4b:s28+s25] =	stream.strided.scatter [tilespmem:s14], [sflag:$0x9], $0x1000, s26, s25, $0x38;
	[tilespmem:$0x15000] =	vst v63  }
0x12d: {  	_ =	swait.ge [sflag:s17], $0x1000  }
0x12e: {  	[sflag:s17] =	ssyncset.done $0x0  }
0x12f: {  	[sflag:s17] =	ssyncadd.s32 $0xFFFFF000  }
0x130: {  	[hbm4b:s21+s25] =	stream.strided.scatter [tilespmem:s15], [sflag:$0x9], $0x1000, s26, s25, $0x38;
	[tilespmem:$0x15000] =	vst v63  }
0x131: {  	_ =	swait.ge [sflag:s17], $0x1000  }
0x132: {  	[sflag:s17] =	ssyncset.done $0x0  }
0x133: {  	[sflag:s17] =	ssyncadd.s32 $0xFFFFF000  }
0x134: {  	[hbm4b:s22+s25] =	stream.strided.scatter [tilespmem:s12], [sflag:$0x9], $0x1000, s26, s25, $0x38;
	[tilespmem:$0x15000] =	vst v63  }
0x135: {  	s2 =	sadd.s32 $0x1, s2;
	_ =	swait.ge [sflag:s17], $0x1000  }
0x136: {  	p0 =	sne.s32 s2, s24;
	[sflag:s17] =	ssyncset.done $0x0  }
.Ltmp3:
0x137: {  	[sflag:s17] =	ssyncadd.s32 $0xFFFFF000;
	(pc) =	sbr.rel @p0 .LBB2_1-.Ltmp3, $4  }
0x138: {  	[hbm4b:s23+s25] =	stream.strided.scatter [tilespmem:s16], [sflag:$0x9], $0x1000, s26, s25, $0x38;
	[tilespmem:$0x15000] =	vst v63  }
0x139: {  	_ =	swait.ge [sflag:s17], $0x1000  }
0x13a: {  	[sflag:s17] =	ssyncset.done $0x0  }
0x13b: {  	[sflag:s17] =	ssyncadd.s32 $0xFFFFF000  }
0x13c: {  	_ =	sfence.sel $0x180000  }
0x13d: {  	[bflag:$0x0] =	sbarrier.arrive $0xFFFF  }
0x13e: {  	_ =	strace $0x90000047  }
0x13f: {  	s0 =	stileid.u32;
	[bflag:$0x2] =	sbarrier.arrive $0xFFFF  }
0x140: {  	p0 =	sne.s32 s0, $0x0;
	s0 =	rddreg [dreg:$0x2]  }
0x141: {  	s0 =	sadd.s32 @!p0 $0x100000, s0  }
0x142: {  	[sflag:s0] =	ssyncadd.tile.s32 @!p0 $0x1;
	_ =	shalt  }
.Lfunc_end2:
_tile_overlayer_lowered:
.L_overlay_start_2:
0x143: {  	(tag) =	ssettag $0x2  }
0x144: {  	s0 =	rddreg [dreg:$0x0];
	s2 =	stileid.u32  }
0x145: {  	s1 =	rddreg [dreg:$0x1];
	p0 =	sne.s32 s2, $0x0  }
0x146: {  	s3 =	rddreg [dreg:$0x2];
	[bflag:$0x3] =	sbarrier.arrive $0xFFFF;
	s2 =	simm.s32 @!p0 $0x1C09  }
0x147: {  	[timem:s3], [sflag:s2] =	dma.local @!p0 [hbm:s0], s1  }
0x148: {  	s0 =	simm.s32 @!p0 $0x9  }
0x149: {  	_ =	swait.ge @!p0 [sflag:s0], s1  }
0x14a: {  	s1 =	ssub.s32 @!p0 $0x0, s1;
	[sflag:s0] =	ssyncset.done @!p0 $0x0  }
0x14b: {  	[sflag:s0] =	ssyncadd.s32 @!p0 s1  }
0x14c: {  	[bflag:$0x3] =	sbarrier.arrive $0xFFFF  }
0x14d: {  	_ =	shalt  }

</sc_bundles>
